<compile_context>
chip_gen: v7x
topology: tpu7x:2x2x1
jax: 0.10.2.dev20260603
libtpu: 0.0.44.dev20260713+nightly
codegen_flags: <defaults>
</compile_context>

<pallas_src>
import jax
import jax.numpy as jnp
from jax import lax
from jax.experimental import pallas as pl
from jax.experimental.pallas import tpu as pltpu
from jax.experimental.pallas import tpu_sc as plsc

VOCAB = 100000
D = 64
N = 4096 * 50
LANES = 128
ROWS = 784
VPAD = ROWS * LANES
NC = 2
NS = 16
NW = NC * NS
L = 16
CHUNK = N // NW
ZSL = VPAD // NS
B = 4096
H = 50
GCH = 800
NGCH = CHUNK // GCH
BROW = GCH // H
BROWS = CHUNK // H
PRE = 3

_mesh = plsc.VectorSubcoreMesh(core_axis_name="c", subcore_axis_name="s")


def _k1_body(idx_hbm, counts_hbm, shared, idx_v, ones_v, zeros_v):
    c = lax.axis_index("c")
    s = lax.axis_index("s")
    w = c * NS + s

    @pl.loop(0, ZSL // L)
    def _zero(i):
        zeros_v[pl.ds(i * L, L)] = jnp.zeros((L,), jnp.int32)

    @pl.loop(0, CHUNK // L)
    def _one(i):
        ones_v[pl.ds(i * L, L)] = jnp.ones((L,), jnp.int32)

    pltpu.sync_copy(zeros_v, shared.at[pl.ds(s * ZSL, ZSL)])
    plsc.subcore_barrier()
    pltpu.sync_copy(idx_hbm.at[pl.ds(w * CHUNK, CHUNK)], idx_v)
    pltpu.sync_copy(ones_v, shared.at[idx_v], add=True)
    plsc.subcore_barrier()
    pltpu.sync_copy(shared.at[pl.ds(s * ZSL, ZSL)],
                    counts_hbm.at[c, pl.ds(s * ZSL, ZSL)])


_k1 = pl.kernel(
    _k1_body,
    out_type=jax.ShapeDtypeStruct((NC, VPAD), jnp.int32),
    mesh=_mesh,
    compiler_params=pltpu.CompilerParams(use_tc_tiling_on_sc=False),
    scratch_types=[
        pltpu.VMEM_SHARED((VPAD,), jnp.int32),
        pltpu.VMEM((CHUNK,), jnp.int32),
        pltpu.VMEM((CHUNK,), jnp.int32),
        pltpu.VMEM((ZSL,), jnp.int32),
    ],
)


def _k2_body(counts_ref, rank_ref):
    cnt = counts_ref[0] + counts_ref[1]
    x = (cnt > 0).astype(jnp.float32)
    ci = lax.broadcasted_iota(jnp.int32, (LANES, LANES), 0)
    cj = lax.broadcasted_iota(jnp.int32, (LANES, LANES), 1)
    upper = (ci <= cj).astype(jnp.float32)
    prefix = jnp.dot(x, upper, preferred_element_type=jnp.float32)
    row_tot = prefix[:, LANES - 1:LANES]
    ri = lax.broadcasted_iota(jnp.int32, (ROWS, ROWS), 0)
    rj = lax.broadcasted_iota(jnp.int32, (ROWS, ROWS), 1)
    strict = (rj < ri).astype(jnp.float32)
    row_off = jnp.dot(strict, row_tot, preferred_element_type=jnp.float32)
    rank_ref[...] = (row_off + prefix - x).astype(jnp.int32)


_k2 = pl.pallas_call(
    _k2_body,
    out_shape=jax.ShapeDtypeStruct((ROWS, LANES), jnp.int32),
)


def _k3_body(rank_hbm, idx_hbm, table_hbm, out_hbm,
             idx_v, int_v, rows_v,
             sem_i0, sem_i1, sem_i2, sem_t0, sem_t1, sem_w0, sem_w1):
    c = lax.axis_index("c")
    s = lax.axis_index("s")
    w = c * NS + s
    pltpu.sync_copy(idx_hbm.at[w], idx_v)

    int_sems = (sem_i0, sem_i1, sem_i2)
    tab_sems = (sem_t0, sem_t1)
    wr_sems = (sem_w0, sem_w1)

    def fire_int(j):
        return pltpu.async_copy(rank_hbm.at[idx_v.at[j]], int_v.at[j],
                                int_sems[j % PRE])

    def fire_tab(j):
        return pltpu.async_copy(table_hbm.at[int_v.at[j]],
                                rows_v.at[j % 2], tab_sems[j % 2])

    def fire_writes(j):
        b = j % 2
        return [
            pltpu.async_copy(rows_v.at[b],
                             out_hbm.at[pl.ds(w * CHUNK + j * GCH, GCH), :],
                             wr_sems[b])
        ]

    int_d = [None] * NGCH
    tab_d = [None] * NGCH
    wr_d = [None] * NGCH
    for j in range(min(PRE, NGCH)):
        int_d[j] = fire_int(j)
    for j in range(NGCH):
        int_d[j].wait()
        if j >= 2:
            for d in wr_d[j - 2]:
                d.wait()
        tab_d[j] = fire_tab(j)
        if j + PRE < NGCH:
            int_d[j + PRE] = fire_int(j + PRE)
        if j >= 1:
            tab_d[j - 1].wait()
            wr_d[j - 1] = fire_writes(j - 1)
    tab_d[NGCH - 1].wait()
    wr_d[NGCH - 1] = fire_writes(NGCH - 1)
    for d in wr_d[NGCH - 2]:
        d.wait()
    for d in wr_d[NGCH - 1]:
        d.wait()


_k3 = pl.kernel(
    _k3_body,
    out_type=jax.ShapeDtypeStruct((N, D), jnp.float32),
    mesh=_mesh,
    compiler_params=pltpu.CompilerParams(use_tc_tiling_on_sc=False),
    scratch_types=[
        pltpu.VMEM((NGCH, GCH), jnp.int32),
        pltpu.VMEM((NGCH, GCH), jnp.int32),
        pltpu.VMEM((2, GCH, D), jnp.float32),
        pltpu.SemaphoreType.DMA,
        pltpu.SemaphoreType.DMA,
        pltpu.SemaphoreType.DMA,
        pltpu.SemaphoreType.DMA,
        pltpu.SemaphoreType.DMA,
        pltpu.SemaphoreType.DMA,
        pltpu.SemaphoreType.DMA,
    ],
)


BB = 128
NB = B // BB
INROWS = BB * H * D // LANES


def _k4_body(in_ref, out_ref):
    x = in_ref[...]
    y = x.reshape(BB, H // 2, LANES)
    z0 = y[:, :, :D]
    z1 = y[:, :, D:]
    t0 = jnp.transpose(z0, (1, 2, 0))
    t1 = jnp.transpose(z1, (1, 2, 0))
    st = jnp.stack([t0, t1], axis=1)
    out_ref[...] = st.reshape(H, D, BB)


_k4 = pl.pallas_call(
    _k4_body,
    grid=(NB,),
    in_specs=[pl.BlockSpec((INROWS, LANES), lambda i: (i, 0))],
    out_specs=pl.BlockSpec((H, D, BB), lambda i: (0, 0, i)),
    out_shape=jax.ShapeDtypeStruct((H, D, B), jnp.float32),
)


def kernel(indices, table):
    idx_flat = indices.reshape(-1).astype(jnp.int32)
    counts = _k1(idx_flat)
    rank = _k2(counts.reshape(NC, ROWS, LANES))
    gathered = _k3(rank.reshape(-1), idx_flat.reshape(NW, NGCH, GCH), table)
    out_t = _k4(gathered.reshape(N * D // LANES, LANES))
    return jnp.transpose(out_t, (2, 0, 1))

# --- scband reference (transcript-rebuilt; emitter-appended) ---
"""Pipeline reference for scband-kvembedding-2723009266563 (READ-ONLY COPY).

The authoritative reference and input builder live on the scoring server;
editing this copy changes nothing except your own understanding.
"""

import jax, jax.numpy as jnp
import numpy as np

VOCAB = 100000
EMBED_DIM = 64
BATCH = 4096
HIST = 50
INIT_MEAN = 0.0
INIT_STD = 0.02


def setup_inputs(seed: int = 0) -> dict:
    key = jax.random.key(seed)
    k1, k2 = jax.random.split(key)
    indices = jax.random.randint(k1, (BATCH, HIST), 0, VOCAB)
    # Learned embedding table. The torch module grows its table lazily; row i of the
    # grown table corresponds to the i-th smallest unique key seen (since keys are
    # registered in sorted-unique order on the first forward). We materialize the
    # table at its upper-bound size (VOCAB rows), initialized ~ N(mean, std) as in
    # _init_vector.
    table = INIT_MEAN + INIT_STD * jax.random.normal(k2, (VOCAB, EMBED_DIM), dtype=jnp.float32)
    return {"indices": indices, "table": table}


def reference(indices, table):
    # _get_indices_for_keys: internal index of key k == rank of k among the sorted
    # unique keys of this batch (table starts empty, keys added in sorted order).
    sentinel = jnp.iinfo(indices.dtype).max
    unique_keys = jnp.unique(indices, size=VOCAB, fill_value=sentinel)
    internal = jnp.searchsorted(unique_keys, indices.reshape(-1)).reshape(indices.shape)
    # embedding lookup (gather)
    return jnp.take(table, internal, axis=0)

if __name__ == "__main__":
    import jax
    _d = setup_inputs()
    print(jax.jit(kernel)(*tuple(_d.values())))

</pallas_src>

<mosaic_0001>
#map = affine_map<(d0, d1) -> (0)>
#map1 = affine_map<(d0, d1) -> (0, 0, 0)>
#map2 = affine_map<(d0, d1) -> (0, 0)>
module attributes {stable_mosaic.version = 14 : i64} {
  func.func @_k3_body(%arg0: i32, %arg1: i32, %arg2: memref<100352xi32, #tpu.memory_space<hbm>>, %arg3: memref<32x8x800xi32, #tpu.memory_space<hbm>>, %arg4: memref<100000x64xf32, #tpu.memory_space<hbm>>, %arg5: memref<204800x64xf32, #tpu.memory_space<hbm>>, %arg6: memref<8x800xi32, #tpu.memory_space<vmem>>, %arg7: memref<8x800xi32, #tpu.memory_space<vmem>>, %arg8: memref<2x800x64xf32, #tpu.memory_space<vmem>>, %arg9: memref<!tpu.dma_semaphore, #tpu.memory_space<semaphore_mem>>, %arg10: memref<!tpu.dma_semaphore, #tpu.memory_space<semaphore_mem>>, %arg11: memref<!tpu.dma_semaphore, #tpu.memory_space<semaphore_mem>>, %arg12: memref<!tpu.dma_semaphore, #tpu.memory_space<semaphore_mem>>, %arg13: memref<!tpu.dma_semaphore, #tpu.memory_space<semaphore_mem>>, %arg14: memref<!tpu.dma_semaphore, #tpu.memory_space<semaphore_mem>>, %arg15: memref<!tpu.dma_semaphore, #tpu.memory_space<semaphore_mem>>) attributes {dimension_semantics = [#tpu.dimension_semantics<core_parallel>, #tpu.dimension_semantics<subcore_parallel>], iteration_bounds = array<i64: 2, 16>, scalar_prefetch = 0 : i64, scratch_operands = 10 : i64, tpu.core_type = #tpu.core_type<sc_vector_subcore>, window_params = [{transform_indices = #map}, {transform_indices = #map1}, {transform_indices = #map2}, {transform_indices = #map2}]} {
    %mul3A = arith.constant 16 : i32
    %mul3A_0 = arith.muli %arg0, %mul3A : i32
    %add3A = arith.addi %mul3A_0, %arg1 : i32
    "tpu.region"() ({
      %run_scoped3A = tpu.sem_alloc : memref<!tpu.dma_semaphore, #tpu.memory_space<semaphore_mem>>
      %dma_start3A_591 = arith.constant 0 : i32
      %dma_start3A_592 = arith.constant 0 : i32
      %dma_start3A_593 = tpu.memref_slice %arg3[%add3A, %dma_start3A_591, %dma_start3A_592] : memref<32x8x800xi32, #tpu.memory_space<hbm>> -> memref<1x8x800xi32, #tpu.memory_space<hbm>>
      %dma_start3A_594 = tpu.memref_squeeze %dma_start3A_593 : memref<1x8x800xi32, #tpu.memory_space<hbm>> -> memref<8x800xi32, #tpu.memory_space<hbm>>
      %dma_start3A_595 = arith.constant 0 : i32
      %dma_start3A_596 = arith.constant 0 : i32
      %dma_start3A_597 = tpu.memref_slice %arg3[%add3A, %dma_start3A_595, %dma_start3A_596] : memref<32x8x800xi32, #tpu.memory_space<hbm>> -> memref<1x8x800xi32, #tpu.memory_space<hbm>>
      %dma_start3A_598 = tpu.memref_squeeze %dma_start3A_597 : memref<1x8x800xi32, #tpu.memory_space<hbm>> -> memref<8x800xi32, #tpu.memory_space<hbm>>
      tpu.enqueue_dma source(%dma_start3A_598 : memref<8x800xi32, #tpu.memory_space<hbm>>) target(%arg6 : memref<8x800xi32, #tpu.memory_space<vmem>>) target_semaphore(%run_scoped3A : memref<!tpu.dma_semaphore, #tpu.memory_space<semaphore_mem>>)
      %dma_wait3A_599 = arith.constant 0 : i32
      %dma_wait3A_600 = arith.constant 0 : i32
      %dma_wait3A_601 = tpu.memref_slice %arg3[%add3A, %dma_wait3A_599, %dma_wait3A_600] : memref<32x8x800xi32, #tpu.memory_space<hbm>> -> memref<1x8x800xi32, #tpu.memory_space<hbm>>
      %dma_wait3A_602 = tpu.memref_squeeze %dma_wait3A_601 : memref<1x8x800xi32, #tpu.memory_space<hbm>> -> memref<8x800xi32, #tpu.memory_space<hbm>>
      %dma_wait3A_603 = arith.constant 0 : i32
      %dma_wait3A_604 = arith.constant 0 : i32
      %dma_wait3A_605 = tpu.memref_slice %arg3[%add3A, %dma_wait3A_603, %dma_wait3A_604] : memref<32x8x800xi32, #tpu.memory_space<hbm>> -> memref<1x8x800xi32, #tpu.memory_space<hbm>>
      %dma_wait3A_606 = tpu.memref_squeeze %dma_wait3A_605 : memref<1x8x800xi32, #tpu.memory_space<hbm>> -> memref<8x800xi32, #tpu.memory_space<hbm>>
      tpu.wait_dma2 semaphore(%run_scoped3A : memref<!tpu.dma_semaphore, #tpu.memory_space<semaphore_mem>>) src(%dma_wait3A_606 : memref<8x800xi32, #tpu.memory_space<hbm>>) dst(%arg6 : memref<8x800xi32, #tpu.memory_space<vmem>>)
      tpu.yield
    }) : () -> ()
    %dma_start3A = arith.constant 0 : i32
    %dma_start3A_1 = arith.constant 0 : i32
    %dma_start3A_2 = arith.constant 0 : i32
    %dma_start3A_3 = tpu.memref_slice %arg7[%dma_start3A_1, %dma_start3A_2] : memref<8x800xi32, #tpu.memory_space<vmem>> -> memref<1x800xi32, #tpu.memory_space<vmem>>
    %dma_start3A_4 = tpu.memref_squeeze %dma_start3A_3 : memref<1x800xi32, #tpu.memory_space<vmem>> -> memref<800xi32, #tpu.memory_space<vmem>>
    %dma_start3A_5 = arith.constant 0 : i32
    %dma_start3A_6 = tpu.memref_slice %arg6[%dma_start3A, %dma_start3A_5] : memref<8x800xi32, #tpu.memory_space<vmem>> -> memref<1x800xi32, #tpu.memory_space<vmem>>
    %dma_start3A_7 = tpu.memref_squeeze %dma_start3A_6 : memref<1x800xi32, #tpu.memory_space<vmem>> -> memref<800xi32, #tpu.memory_space<vmem>>
    %dma_start3A_8 = arith.constant 0 : i32
    %dma_start3A_9 = tpu.memref_slice %arg2[%dma_start3A_8] : memref<100352xi32, #tpu.memory_space<hbm>> -> memref<100352xi32, #tpu.memory_space<hbm>>
    tpu.enqueue_indirect_dma source(%dma_start3A_9 : memref<100352xi32, #tpu.memory_space<hbm>>) target(%dma_start3A_4 : memref<800xi32, #tpu.memory_space<vmem>>) offsets(%dma_start3A_7 : memref<800xi32, #tpu.memory_space<vmem>>) semaphore(%arg9 : memref<!tpu.dma_semaphore, #tpu.memory_space<semaphore_mem>>)
    %dma_start3A_10 = arith.constant 1 : i32
    %dma_start3A_11 = arith.constant 1 : i32
    %dma_start3A_12 = arith.constant 0 : i32
    %dma_start3A_13 = tpu.memref_slice %arg7[%dma_start3A_11, %dma_start3A_12] : memref<8x800xi32, #tpu.memory_space<vmem>> -> memref<1x800xi32, #tpu.memory_space<vmem>>
    %dma_start3A_14 = tpu.memref_squeeze %dma_start3A_13 : memref<1x800xi32, #tpu.memory_space<vmem>> -> memref<800xi32, #tpu.memory_space<vmem>>
    %dma_start3A_15 = arith.constant 0 : i32
    %dma_start3A_16 = tpu.memref_slice %arg6[%dma_start3A_10, %dma_start3A_15] : memref<8x800xi32, #tpu.memory_space<vmem>> -> memref<1x800xi32, #tpu.memory_space<vmem>>
    %dma_start3A_17 = tpu.memref_squeeze %dma_start3A_16 : memref<1x800xi32, #tpu.memory_space<vmem>> -> memref<800xi32, #tpu.memory_space<vmem>>
    %dma_start3A_18 = arith.constant 0 : i32
    %dma_start3A_19 = tpu.memref_slice %arg2[%dma_start3A_18] : memref<100352xi32, #tpu.memory_space<hbm>> -> memref<100352xi32, #tpu.memory_space<hbm>>
    tpu.enqueue_indirect_dma source(%dma_start3A_19 : memref<100352xi32, #tpu.memory_space<hbm>>) target(%dma_start3A_14 : memref<800xi32, #tpu.memory_space<vmem>>) offsets(%dma_start3A_17 : memref<800xi32, #tpu.memory_space<vmem>>) semaphore(%arg10 : memref<!tpu.dma_semaphore, #tpu.memory_space<semaphore_mem>>)
    %dma_start3A_20 = arith.constant 2 : i32
    %dma_start3A_21 = arith.constant 2 : i32
    %dma_start3A_22 = arith.constant 0 : i32
    %dma_start3A_23 = tpu.memref_slice %arg7[%dma_start3A_21, %dma_start3A_22] : memref<8x800xi32, #tpu.memory_space<vmem>> -> memref<1x800xi32, #tpu.memory_space<vmem>>
    %dma_start3A_24 = tpu.memref_squeeze %dma_start3A_23 : memref<1x800xi32, #tpu.memory_space<vmem>> -> memref<800xi32, #tpu.memory_space<vmem>>
    %dma_start3A_25 = arith.constant 0 : i32
    %dma_start3A_26 = tpu.memref_slice %arg6[%dma_start3A_20, %dma_start3A_25] : memref<8x800xi32, #tpu.memory_space<vmem>> -> memref<1x800xi32, #tpu.memory_space<vmem>>
    %dma_start3A_27 = tpu.memref_squeeze %dma_start3A_26 : memref<1x800xi32, #tpu.memory_space<vmem>> -> memref<800xi32, #tpu.memory_space<vmem>>
    %dma_start3A_28 = arith.constant 0 : i32
    %dma_start3A_29 = tpu.memref_slice %arg2[%dma_start3A_28] : memref<100352xi32, #tpu.memory_space<hbm>> -> memref<100352xi32, #tpu.memory_space<hbm>>
    tpu.enqueue_indirect_dma source(%dma_start3A_29 : memref<100352xi32, #tpu.memory_space<hbm>>) target(%dma_start3A_24 : memref<800xi32, #tpu.memory_space<vmem>>) offsets(%dma_start3A_27 : memref<800xi32, #tpu.memory_space<vmem>>) semaphore(%arg11 : memref<!tpu.dma_semaphore, #tpu.memory_space<semaphore_mem>>)
    %dma_wait3A = arith.constant 0 : i32
    %dma_wait3A_30 = arith.constant 0 : i32
    %dma_wait3A_31 = arith.constant 0 : i32
    %dma_wait3A_32 = tpu.memref_slice %arg7[%dma_wait3A_30, %dma_wait3A_31] : memref<8x800xi32, #tpu.memory_space<vmem>> -> memref<1x800xi32, #tpu.memory_space<vmem>>
    %dma_wait3A_33 = tpu.memref_squeeze %dma_wait3A_32 : memref<1x800xi32, #tpu.memory_space<vmem>> -> memref<800xi32, #tpu.memory_space<vmem>>
    %dma_wait3A_34 = arith.constant 0 : i32
    %dma_wait3A_35 = tpu.memref_slice %arg6[%dma_wait3A, %dma_wait3A_34] : memref<8x800xi32, #tpu.memory_space<vmem>> -> memref<1x800xi32, #tpu.memory_space<vmem>>
    %dma_wait3A_36 = tpu.memref_squeeze %dma_wait3A_35 : memref<1x800xi32, #tpu.memory_space<vmem>> -> memref<800xi32, #tpu.memory_space<vmem>>
    %dma_wait3A_37 = arith.constant 0 : i32
    %dma_wait3A_38 = tpu.memref_slice %arg2[%dma_wait3A_37] : memref<100352xi32, #tpu.memory_space<hbm>> -> memref<100352xi32, #tpu.memory_space<hbm>>
    tpu.wait_indirect_dma semaphore(%arg9 : memref<!tpu.dma_semaphore, #tpu.memory_space<semaphore_mem>>) src(%dma_wait3A_38 : memref<100352xi32, #tpu.memory_space<hbm>>) dst(%dma_wait3A_33 : memref<800xi32, #tpu.memory_space<vmem>>)
    %dma_start3A_39 = arith.constant 0 : i32
    %dma_start3A_40 = arith.constant 0 : i32
    %dma_start3A_41 = arith.constant 0 : i32
    %dma_start3A_42 = arith.constant 0 : i32
    %dma_start3A_43 = tpu.memref_slice %arg8[%dma_start3A_40, %dma_start3A_41, %dma_start3A_42] : memref<2x800x64xf32, #tpu.memory_space<vmem>> -> memref<1x800x64xf32, #tpu.memory_space<vmem>>
    %dma_start3A_44 = tpu.memref_squeeze %dma_start3A_43 : memref<1x800x64xf32, #tpu.memory_space<vmem>> -> memref<800x64xf32, #tpu.memory_space<vmem>>
    %dma_start3A_45 = arith.constant 0 : i32
    %dma_start3A_46 = tpu.memref_slice %arg7[%dma_start3A_39, %dma_start3A_45] : memref<8x800xi32, #tpu.memory_space<vmem>> -> memref<1x800xi32, #tpu.memory_space<vmem>>
    %dma_start3A_47 = tpu.memref_squeeze %dma_start3A_46 : memref<1x800xi32, #tpu.memory_space<vmem>> -> memref<800xi32, #tpu.memory_space<vmem>>
    %dma_start3A_48 = arith.constant 0 : i32
    %dma_start3A_49 = arith.constant 0 : i32
    %dma_start3A_50 = tpu.memref_slice %arg4[%dma_start3A_48, %dma_start3A_49] : memref<100000x64xf32, #tpu.memory_space<hbm>> -> memref<100000x64xf32, #tpu.memory_space<hbm>>
    tpu.enqueue_indirect_dma source(%dma_start3A_50 : memref<100000x64xf32, #tpu.memory_space<hbm>>) target(%dma_start3A_44 : memref<800x64xf32, #tpu.memory_space<vmem>>) offsets(%dma_start3A_47 : memref<800xi32, #tpu.memory_space<vmem>>) semaphore(%arg12 : memref<!tpu.dma_semaphore, #tpu.memory_space<semaphore_mem>>)
    %dma_start3A_51 = arith.constant 3 : i32
    %dma_start3A_52 = arith.constant 3 : i32
    %dma_start3A_53 = arith.constant 0 : i32
    %dma_start3A_54 = tpu.memref_slice %arg7[%dma_start3A_52, %dma_start3A_53] : memref<8x800xi32, #tpu.memory_space<vmem>> -> memref<1x800xi32, #tpu.memory_space<vmem>>
    %dma_start3A_55 = tpu.memref_squeeze %dma_start3A_54 : memref<1x800xi32, #tpu.memory_space<vmem>> -> memref<800xi32, #tpu.memory_space<vmem>>
    %dma_start3A_56 = arith.constant 0 : i32
    %dma_start3A_57 = tpu.memref_slice %arg6[%dma_start3A_51, %dma_start3A_56] : memref<8x800xi32, #tpu.memory_space<vmem>> -> memref<1x800xi32, #tpu.memory_space<vmem>>
    %dma_start3A_58 = tpu.memref_squeeze %dma_start3A_57 : memref<1x800xi32, #tpu.memory_space<vmem>> -> memref<800xi32, #tpu.memory_space<vmem>>
    %dma_start3A_59 = arith.constant 0 : i32
    %dma_start3A_60 = tpu.memref_slice %arg2[%dma_start3A_59] : memref<100352xi32, #tpu.memory_space<hbm>> -> memref<100352xi32, #tpu.memory_space<hbm>>
    tpu.enqueue_indirect_dma source(%dma_start3A_60 : memref<100352xi32, #tpu.memory_space<hbm>>) target(%dma_start3A_55 : memref<800xi32, #tpu.memory_space<vmem>>) offsets(%dma_start3A_58 : memref<800xi32, #tpu.memory_space<vmem>>) semaphore(%arg9 : memref<!tpu.dma_semaphore, #tpu.memory_space<semaphore_mem>>)
    %dma_wait3A_61 = arith.constant 1 : i32
    %dma_wait3A_62 = arith.constant 1 : i32
    %dma_wait3A_63 = arith.constant 0 : i32
    %dma_wait3A_64 = tpu.memref_slice %arg7[%dma_wait3A_62, %dma_wait3A_63] : memref<8x800xi32, #tpu.memory_space<vmem>> -> memref<1x800xi32, #tpu.memory_space<vmem>>
    %dma_wait3A_65 = tpu.memref_squeeze %dma_wait3A_64 : memref<1x800xi32, #tpu.memory_space<vmem>> -> memref<800xi32, #tpu.memory_space<vmem>>
    %dma_wait3A_66 = arith.constant 0 : i32
    %dma_wait3A_67 = tpu.memref_slice %arg6[%dma_wait3A_61, %dma_wait3A_66] : memref<8x800xi32, #tpu.memory_space<vmem>> -> memref<1x800xi32, #tpu.memory_space<vmem>>
    %dma_wait3A_68 = tpu.memref_squeeze %dma_wait3A_67 : memref<1x800xi32, #tpu.memory_space<vmem>> -> memref<800xi32, #tpu.memory_space<vmem>>
    %dma_wait3A_69 = arith.constant 0 : i32
    %dma_wait3A_70 = tpu.memref_slice %arg2[%dma_wait3A_69] : memref<100352xi32, #tpu.memory_space<hbm>> -> memref<100352xi32, #tpu.memory_space<hbm>>
    tpu.wait_indirect_dma semaphore(%arg10 : memref<!tpu.dma_semaphore, #tpu.memory_space<semaphore_mem>>) src(%dma_wait3A_70 : memref<100352xi32, #tpu.memory_space<hbm>>) dst(%dma_wait3A_65 : memref<800xi32, #tpu.memory_space<vmem>>)
    %dma_start3A_71 = arith.constant 1 : i32
    %dma_start3A_72 = arith.constant 1 : i32
    %dma_start3A_73 = arith.constant 0 : i32
    %dma_start3A_74 = arith.constant 0 : i32
    %dma_start3A_75 = tpu.memref_slice %arg8[%dma_start3A_72, %dma_start3A_73, %dma_start3A_74] : memref<2x800x64xf32, #tpu.memory_space<vmem>> -> memref<1x800x64xf32, #tpu.memory_space<vmem>>
    %dma_start3A_76 = tpu.memref_squeeze %dma_start3A_75 : memref<1x800x64xf32, #tpu.memory_space<vmem>> -> memref<800x64xf32, #tpu.memory_space<vmem>>
    %dma_start3A_77 = arith.constant 0 : i32
    %dma_start3A_78 = tpu.memref_slice %arg7[%dma_start3A_71, %dma_start3A_77] : memref<8x800xi32, #tpu.memory_space<vmem>> -> memref<1x800xi32, #tpu.memory_space<vmem>>
    %dma_start3A_79 = tpu.memref_squeeze %dma_start3A_78 : memref<1x800xi32, #tpu.memory_space<vmem>> -> memref<800xi32, #tpu.memory_space<vmem>>
    %dma_start3A_80 = arith.constant 0 : i32
    %dma_start3A_81 = arith.constant 0 : i32
    %dma_start3A_82 = tpu.memref_slice %arg4[%dma_start3A_80, %dma_start3A_81] : memref<100000x64xf32, #tpu.memory_space<hbm>> -> memref<100000x64xf32, #tpu.memory_space<hbm>>
    tpu.enqueue_indirect_dma source(%dma_start3A_82 : memref<100000x64xf32, #tpu.memory_space<hbm>>) target(%dma_start3A_76 : memref<800x64xf32, #tpu.memory_space<vmem>>) offsets(%dma_start3A_79 : memref<800xi32, #tpu.memory_space<vmem>>) semaphore(%arg13 : memref<!tpu.dma_semaphore, #tpu.memory_space<semaphore_mem>>)
    %dma_start3A_83 = arith.constant 4 : i32
    %dma_start3A_84 = arith.constant 4 : i32
    %dma_start3A_85 = arith.constant 0 : i32
    %dma_start3A_86 = tpu.memref_slice %arg7[%dma_start3A_84, %dma_start3A_85] : memref<8x800xi32, #tpu.memory_space<vmem>> -> memref<1x800xi32, #tpu.memory_space<vmem>>
    %dma_start3A_87 = tpu.memref_squeeze %dma_start3A_86 : memref<1x800xi32, #tpu.memory_space<vmem>> -> memref<800xi32, #tpu.memory_space<vmem>>
    %dma_start3A_88 = arith.constant 0 : i32
    %dma_start3A_89 = tpu.memref_slice %arg6[%dma_start3A_83, %dma_start3A_88] : memref<8x800xi32, #tpu.memory_space<vmem>> -> memref<1x800xi32, #tpu.memory_space<vmem>>
    %dma_start3A_90 = tpu.memref_squeeze %dma_start3A_89 : memref<1x800xi32, #tpu.memory_space<vmem>> -> memref<800xi32, #tpu.memory_space<vmem>>
    %dma_start3A_91 = arith.constant 0 : i32
    %dma_start3A_92 = tpu.memref_slice %arg2[%dma_start3A_91] : memref<100352xi32, #tpu.memory_space<hbm>> -> memref<100352xi32, #tpu.memory_space<hbm>>
    tpu.enqueue_indirect_dma source(%dma_start3A_92 : memref<100352xi32, #tpu.memory_space<hbm>>) target(%dma_start3A_87 : memref<800xi32, #tpu.memory_space<vmem>>) offsets(%dma_start3A_90 : memref<800xi32, #tpu.memory_space<vmem>>) semaphore(%arg10 : memref<!tpu.dma_semaphore, #tpu.memory_space<semaphore_mem>>)
    %dma_wait3A_93 = arith.constant 0 : i32
    %dma_wait3A_94 = arith.constant 0 : i32
    %dma_wait3A_95 = arith.constant 0 : i32
    %dma_wait3A_96 = arith.constant 0 : i32
    %dma_wait3A_97 = tpu.memref_slice %arg8[%dma_wait3A_94, %dma_wait3A_95, %dma_wait3A_96] : memref<2x800x64xf32, #tpu.memory_space<vmem>> -> memref<1x800x64xf32, #tpu.memory_space<vmem>>
    %dma_wait3A_98 = tpu.memref_squeeze %dma_wait3A_97 : memref<1x800x64xf32, #tpu.memory_space<vmem>> -> memref<800x64xf32, #tpu.memory_space<vmem>>
    %dma_wait3A_99 = arith.constant 0 : i32
    %dma_wait3A_100 = tpu.memref_slice %arg7[%dma_wait3A_93, %dma_wait3A_99] : memref<8x800xi32, #tpu.memory_space<vmem>> -> memref<1x800xi32, #tpu.memory_space<vmem>>
    %dma_wait3A_101 = tpu.memref_squeeze %dma_wait3A_100 : memref<1x800xi32, #tpu.memory_space<vmem>> -> memref<800xi32, #tpu.memory_space<vmem>>
    %dma_wait3A_102 = arith.constant 0 : i32
    %dma_wait3A_103 = arith.constant 0 : i32
    %dma_wait3A_104 = tpu.memref_slice %arg4[%dma_wait3A_102, %dma_wait3A_103] : memref<100000x64xf32, #tpu.memory_space<hbm>> -> memref<100000x64xf32, #tpu.memory_space<hbm>>
    tpu.wait_indirect_dma semaphore(%arg12 : memref<!tpu.dma_semaphore, #tpu.memory_space<semaphore_mem>>) src(%dma_wait3A_104 : memref<100000x64xf32, #tpu.memory_space<hbm>>) dst(%dma_wait3A_98 : memref<800x64xf32, #tpu.memory_space<vmem>>)
    %mul3A_105 = arith.constant 6400 : i32
    %mul3A_106 = arith.muli %add3A, %mul3A_105 : i32
    %add3A_107 = arith.constant 0 : i32
    %add3A_108 = arith.addi %mul3A_106, %add3A_107 : i32
    %dma_start3A_109 = arith.constant 0 : i32
    %dma_start3A_110 = arith.constant 0 : i32
    %dma_start3A_111 = arith.constant 0 : i32
    %dma_start3A_112 = tpu.memref_slice %arg8[%dma_start3A_109, %dma_start3A_110, %dma_start3A_111] : memref<2x800x64xf32, #tpu.memory_space<vmem>> -> memref<1x800x64xf32, #tpu.memory_space<vmem>>
    %dma_start3A_113 = tpu.memref_squeeze %dma_start3A_112 : memref<1x800x64xf32, #tpu.memory_space<vmem>> -> memref<800x64xf32, #tpu.memory_space<vmem>>
    %dma_start3A_114 = arith.constant 0 : i32
    %dma_start3A_115 = tpu.memref_slice %arg5[%add3A_108, %dma_start3A_114] : memref<204800x64xf32, #tpu.memory_space<hbm>> -> memref<800x64xf32, #tpu.memory_space<hbm>>
    %dma_start3A_116 = arith.constant 0 : i32
    %dma_start3A_117 = tpu.memref_slice %arg5[%add3A_108, %dma_start3A_116] : memref<204800x64xf32, #tpu.memory_space<hbm>> -> memref<800x64xf32, #tpu.memory_space<hbm>>
    %dma_start3A_118 = arith.constant 0 : i32
    %dma_start3A_119 = arith.constant 0 : i32
    %dma_start3A_120 = tpu.memref_slice %arg8[%dma_start3A_109, %dma_start3A_118, %dma_start3A_119] : memref<2x800x64xf32, #tpu.memory_space<vmem>> -> memref<1x800x64xf32, #tpu.memory_space<vmem>>
    %dma_start3A_121 = tpu.memref_squeeze %dma_start3A_120 : memref<1x800x64xf32, #tpu.memory_space<vmem>> -> memref<800x64xf32, #tpu.memory_space<vmem>>
    tpu.enqueue_dma source(%dma_start3A_121 : memref<800x64xf32, #tpu.memory_space<vmem>>) target(%dma_start3A_117 : memref<800x64xf32, #tpu.memory_space<hbm>>) target_semaphore(%arg14 : memref<!tpu.dma_semaphore, #tpu.memory_space<semaphore_mem>>)
    %dma_wait3A_122 = arith.constant 2 : i32
    %dma_wait3A_123 = arith.constant 2 : i32
    %dma_wait3A_124 = arith.constant 0 : i32
    %dma_wait3A_125 = tpu.memref_slice %arg7[%dma_wait3A_123, %dma_wait3A_124] : memref<8x800xi32, #tpu.memory_space<vmem>> -> memref<1x800xi32, #tpu.memory_space<vmem>>
    %dma_wait3A_126 = tpu.memref_squeeze %dma_wait3A_125 : memref<1x800xi32, #tpu.memory_space<vmem>> -> memref<800xi32, #tpu.memory_space<vmem>>
    %dma_wait3A_127 = arith.constant 0 : i32
    %dma_wait3A_128 = tpu.memref_slice %arg6[%dma_wait3A_122, %dma_wait3A_127] : memref<8x800xi32, #tpu.memory_space<vmem>> -> memref<1x800xi32, #tpu.memory_space<vmem>>
    %dma_wait3A_129 = tpu.memref_squeeze %dma_wait3A_128 : memref<1x800xi32, #tpu.memory_space<vmem>> -> memref<800xi32, #tpu.memory_space<vmem>>
    %dma_wait3A_130 = arith.constant 0 : i32
    %dma_wait3A_131 = tpu.memref_slice %arg2[%dma_wait3A_130] : memref<100352xi32, #tpu.memory_space<hbm>> -> memref<100352xi32, #tpu.memory_space<hbm>>
    tpu.wait_indirect_dma semaphore(%arg11 : memref<!tpu.dma_semaphore, #tpu.memory_space<semaphore_mem>>) src(%dma_wait3A_131 : memref<100352xi32, #tpu.memory_space<hbm>>) dst(%dma_wait3A_126 : memref<800xi32, #tpu.memory_space<vmem>>)
    %dma_wait3A_132 = arith.constant 0 : i32
    %dma_wait3A_133 = arith.constant 0 : i32
    %dma_wait3A_134 = arith.constant 0 : i32
    %dma_wait3A_135 = tpu.memref_slice %arg8[%dma_wait3A_132, %dma_wait3A_133, %dma_wait3A_134] : memref<2x800x64xf32, #tpu.memory_space<vmem>> -> memref<1x800x64xf32, #tpu.memory_space<vmem>>
    %dma_wait3A_136 = tpu.memref_squeeze %dma_wait3A_135 : memref<1x800x64xf32, #tpu.memory_space<vmem>> -> memref<800x64xf32, #tpu.memory_space<vmem>>
    %dma_wait3A_137 = arith.constant 0 : i32
    %dma_wait3A_138 = tpu.memref_slice %arg5[%add3A_108, %dma_wait3A_137] : memref<204800x64xf32, #tpu.memory_space<hbm>> -> memref<800x64xf32, #tpu.memory_space<hbm>>
    %dma_wait3A_139 = arith.constant 0 : i32
    %dma_wait3A_140 = tpu.memref_slice %arg5[%add3A_108, %dma_wait3A_139] : memref<204800x64xf32, #tpu.memory_space<hbm>> -> memref<800x64xf32, #tpu.memory_space<hbm>>
    %dma_wait3A_141 = arith.constant 0 : i32
    %dma_wait3A_142 = arith.constant 0 : i32
    %dma_wait3A_143 = tpu.memref_slice %arg8[%dma_wait3A_132, %dma_wait3A_141, %dma_wait3A_142] : memref<2x800x64xf32, #tpu.memory_space<vmem>> -> memref<1x800x64xf32, #tpu.memory_space<vmem>>
    %dma_wait3A_144 = tpu.memref_squeeze %dma_wait3A_143 : memref<1x800x64xf32, #tpu.memory_space<vmem>> -> memref<800x64xf32, #tpu.memory_space<vmem>>
    tpu.wait_dma2 semaphore(%arg14 : memref<!tpu.dma_semaphore, #tpu.memory_space<semaphore_mem>>) src(%dma_wait3A_144 : memref<800x64xf32, #tpu.memory_space<vmem>>) dst(%dma_wait3A_140 : memref<800x64xf32, #tpu.memory_space<hbm>>)
    %dma_start3A_145 = arith.constant 2 : i32
    %dma_start3A_146 = arith.constant 0 : i32
    %dma_start3A_147 = arith.constant 0 : i32
    %dma_start3A_148 = arith.constant 0 : i32
    %dma_start3A_149 = tpu.memref_slice %arg8[%dma_start3A_146, %dma_start3A_147, %dma_start3A_148] : memref<2x800x64xf32, #tpu.memory_space<vmem>> -> memref<1x800x64xf32, #tpu.memory_space<vmem>>
    %dma_start3A_150 = tpu.memref_squeeze %dma_start3A_149 : memref<1x800x64xf32, #tpu.memory_space<vmem>> -> memref<800x64xf32, #tpu.memory_space<vmem>>
    %dma_start3A_151 = arith.constant 0 : i32
    %dma_start3A_152 = tpu.memref_slice %arg7[%dma_start3A_145, %dma_start3A_151] : memref<8x800xi32, #tpu.memory_space<vmem>> -> memref<1x800xi32, #tpu.memory_space<vmem>>
    %dma_start3A_153 = tpu.memref_squeeze %dma_start3A_152 : memref<1x800xi32, #tpu.memory_space<vmem>> -> memref<800xi32, #tpu.memory_space<vmem>>
    %dma_start3A_154 = arith.constant 0 : i32
    %dma_start3A_155 = arith.constant 0 : i32
    %dma_start3A_156 = tpu.memref_slice %arg4[%dma_start3A_154, %dma_start3A_155] : memref<100000x64xf32, #tpu.memory_space<hbm>> -> memref<100000x64xf32, #tpu.memory_space<hbm>>
    tpu.enqueue_indirect_dma source(%dma_start3A_156 : memref<100000x64xf32, #tpu.memory_space<hbm>>) target(%dma_start3A_150 : memref<800x64xf32, #tpu.memory_space<vmem>>) offsets(%dma_start3A_153 : memref<800xi32, #tpu.memory_space<vmem>>) semaphore(%arg12 : memref<!tpu.dma_semaphore, #tpu.memory_space<semaphore_mem>>)
    %dma_start3A_157 = arith.constant 5 : i32
    %dma_start3A_158 = arith.constant 5 : i32
    %dma_start3A_159 = arith.constant 0 : i32
    %dma_start3A_160 = tpu.memref_slice %arg7[%dma_start3A_158, %dma_start3A_159] : memref<8x800xi32, #tpu.memory_space<vmem>> -> memref<1x800xi32, #tpu.memory_space<vmem>>
    %dma_start3A_161 = tpu.memref_squeeze %dma_start3A_160 : memref<1x800xi32, #tpu.memory_space<vmem>> -> memref<800xi32, #tpu.memory_space<vmem>>
    %dma_start3A_162 = arith.constant 0 : i32
    %dma_start3A_163 = tpu.memref_slice %arg6[%dma_start3A_157, %dma_start3A_162] : memref<8x800xi32, #tpu.memory_space<vmem>> -> memref<1x800xi32, #tpu.memory_space<vmem>>
    %dma_start3A_164 = tpu.memref_squeeze %dma_start3A_163 : memref<1x800xi32, #tpu.memory_space<vmem>> -> memref<800xi32, #tpu.memory_space<vmem>>
    %dma_start3A_165 = arith.constant 0 : i32
    %dma_start3A_166 = tpu.memref_slice %arg2[%dma_start3A_165] : memref<100352xi32, #tpu.memory_space<hbm>> -> memref<100352xi32, #tpu.memory_space<hbm>>
    tpu.enqueue_indirect_dma source(%dma_start3A_166 : memref<100352xi32, #tpu.memory_space<hbm>>) target(%dma_start3A_161 : memref<800xi32, #tpu.memory_space<vmem>>) offsets(%dma_start3A_164 : memref<800xi32, #tpu.memory_space<vmem>>) semaphore(%arg11 : memref<!tpu.dma_semaphore, #tpu.memory_space<semaphore_mem>>)
    %dma_wait3A_167 = arith.constant 1 : i32
    %dma_wait3A_168 = arith.constant 1 : i32
    %dma_wait3A_169 = arith.constant 0 : i32
    %dma_wait3A_170 = arith.constant 0 : i32
    %dma_wait3A_171 = tpu.memref_slice %arg8[%dma_wait3A_168, %dma_wait3A_169, %dma_wait3A_170] : memref<2x800x64xf32, #tpu.memory_space<vmem>> -> memref<1x800x64xf32, #tpu.memory_space<vmem>>
    %dma_wait3A_172 = tpu.memref_squeeze %dma_wait3A_171 : memref<1x800x64xf32, #tpu.memory_space<vmem>> -> memref<800x64xf32, #tpu.memory_space<vmem>>
    %dma_wait3A_173 = arith.constant 0 : i32
    %dma_wait3A_174 = tpu.memref_slice %arg7[%dma_wait3A_167, %dma_wait3A_173] : memref<8x800xi32, #tpu.memory_space<vmem>> -> memref<1x800xi32, #tpu.memory_space<vmem>>
    %dma_wait3A_175 = tpu.memref_squeeze %dma_wait3A_174 : memref<1x800xi32, #tpu.memory_space<vmem>> -> memref<800xi32, #tpu.memory_space<vmem>>
    %dma_wait3A_176 = arith.constant 0 : i32
    %dma_wait3A_177 = arith.constant 0 : i32
    %dma_wait3A_178 = tpu.memref_slice %arg4[%dma_wait3A_176, %dma_wait3A_177] : memref<100000x64xf32, #tpu.memory_space<hbm>> -> memref<100000x64xf32, #tpu.memory_space<hbm>>
    tpu.wait_indirect_dma semaphore(%arg13 : memref<!tpu.dma_semaphore, #tpu.memory_space<semaphore_mem>>) src(%dma_wait3A_178 : memref<100000x64xf32, #tpu.memory_space<hbm>>) dst(%dma_wait3A_172 : memref<800x64xf32, #tpu.memory_space<vmem>>)
    %mul3A_179 = arith.constant 6400 : i32
    %mul3A_180 = arith.muli %add3A, %mul3A_179 : i32
    %add3A_181 = arith.constant 800 : i32
    %add3A_182 = arith.addi %mul3A_180, %add3A_181 : i32
    %dma_start3A_183 = arith.constant 1 : i32
    %dma_start3A_184 = arith.constant 0 : i32
    %dma_start3A_185 = arith.constant 0 : i32
    %dma_start3A_186 = tpu.memref_slice %arg8[%dma_start3A_183, %dma_start3A_184, %dma_start3A_185] : memref<2x800x64xf32, #tpu.memory_space<vmem>> -> memref<1x800x64xf32, #tpu.memory_space<vmem>>
    %dma_start3A_187 = tpu.memref_squeeze %dma_start3A_186 : memref<1x800x64xf32, #tpu.memory_space<vmem>> -> memref<800x64xf32, #tpu.memory_space<vmem>>
    %dma_start3A_188 = arith.constant 0 : i32
    %dma_start3A_189 = tpu.memref_slice %arg5[%add3A_182, %dma_start3A_188] : memref<204800x64xf32, #tpu.memory_space<hbm>> -> memref<800x64xf32, #tpu.memory_space<hbm>>
    %dma_start3A_190 = arith.constant 0 : i32
    %dma_start3A_191 = tpu.memref_slice %arg5[%add3A_182, %dma_start3A_190] : memref<204800x64xf32, #tpu.memory_space<hbm>> -> memref<800x64xf32, #tpu.memory_space<hbm>>
    %dma_start3A_192 = arith.constant 0 : i32
    %dma_start3A_193 = arith.constant 0 : i32
    %dma_start3A_194 = tpu.memref_slice %arg8[%dma_start3A_183, %dma_start3A_192, %dma_start3A_193] : memref<2x800x64xf32, #tpu.memory_space<vmem>> -> memref<1x800x64xf32, #tpu.memory_space<vmem>>
    %dma_start3A_195 = tpu.memref_squeeze %dma_start3A_194 : memref<1x800x64xf32, #tpu.memory_space<vmem>> -> memref<800x64xf32, #tpu.memory_space<vmem>>
    tpu.enqueue_dma source(%dma_start3A_195 : memref<800x64xf32, #tpu.memory_space<vmem>>) target(%dma_start3A_191 : memref<800x64xf32, #tpu.memory_space<hbm>>) target_semaphore(%arg15 : memref<!tpu.dma_semaphore, #tpu.memory_space<semaphore_mem>>)
    %dma_wait3A_196 = arith.constant 3 : i32
    %dma_wait3A_197 = arith.constant 3 : i32
    %dma_wait3A_198 = arith.constant 0 : i32
    %dma_wait3A_199 = tpu.memref_slice %arg7[%dma_wait3A_197, %dma_wait3A_198] : memref<8x800xi32, #tpu.memory_space<vmem>> -> memref<1x800xi32, #tpu.memory_space<vmem>>
    %dma_wait3A_200 = tpu.memref_squeeze %dma_wait3A_199 : memref<1x800xi32, #tpu.memory_space<vmem>> -> memref<800xi32, #tpu.memory_space<vmem>>
    %dma_wait3A_201 = arith.constant 0 : i32
    %dma_wait3A_202 = tpu.memref_slice %arg6[%dma_wait3A_196, %dma_wait3A_201] : memref<8x800xi32, #tpu.memory_space<vmem>> -> memref<1x800xi32, #tpu.memory_space<vmem>>
    %dma_wait3A_203 = tpu.memref_squeeze %dma_wait3A_202 : memref<1x800xi32, #tpu.memory_space<vmem>> -> memref<800xi32, #tpu.memory_space<vmem>>
    %dma_wait3A_204 = arith.constant 0 : i32
    %dma_wait3A_205 = tpu.memref_slice %arg2[%dma_wait3A_204] : memref<100352xi32, #tpu.memory_space<hbm>> -> memref<100352xi32, #tpu.memory_space<hbm>>
    tpu.wait_indirect_dma semaphore(%arg9 : memref<!tpu.dma_semaphore, #tpu.memory_space<semaphore_mem>>) src(%dma_wait3A_205 : memref<100352xi32, #tpu.memory_space<hbm>>) dst(%dma_wait3A_200 : memref<800xi32, #tpu.memory_space<vmem>>)
    %dma_wait3A_206 = arith.constant 1 : i32
    %dma_wait3A_207 = arith.constant 0 : i32
    %dma_wait3A_208 = arith.constant 0 : i32
    %dma_wait3A_209 = tpu.memref_slice %arg8[%dma_wait3A_206, %dma_wait3A_207, %dma_wait3A_208] : memref<2x800x64xf32, #tpu.memory_space<vmem>> -> memref<1x800x64xf32, #tpu.memory_space<vmem>>
    %dma_wait3A_210 = tpu.memref_squeeze %dma_wait3A_209 : memref<1x800x64xf32, #tpu.memory_space<vmem>> -> memref<800x64xf32, #tpu.memory_space<vmem>>
    %dma_wait3A_211 = arith.constant 0 : i32
    %dma_wait3A_212 = tpu.memref_slice %arg5[%add3A_182, %dma_wait3A_211] : memref<204800x64xf32, #tpu.memory_space<hbm>> -> memref<800x64xf32, #tpu.memory_space<hbm>>
    %dma_wait3A_213 = arith.constant 0 : i32
    %dma_wait3A_214 = tpu.memref_slice %arg5[%add3A_182, %dma_wait3A_213] : memref<204800x64xf32, #tpu.memory_space<hbm>> -> memref<800x64xf32, #tpu.memory_space<hbm>>
    %dma_wait3A_215 = arith.constant 0 : i32
    %dma_wait3A_216 = arith.constant 0 : i32
    %dma_wait3A_217 = tpu.memref_slice %arg8[%dma_wait3A_206, %dma_wait3A_215, %dma_wait3A_216] : memref<2x800x64xf32, #tpu.memory_space<vmem>> -> memref<1x800x64xf32, #tpu.memory_space<vmem>>
    %dma_wait3A_218 = tpu.memref_squeeze %dma_wait3A_217 : memref<1x800x64xf32, #tpu.memory_space<vmem>> -> memref<800x64xf32, #tpu.memory_space<vmem>>
    tpu.wait_dma2 semaphore(%arg15 : memref<!tpu.dma_semaphore, #tpu.memory_space<semaphore_mem>>) src(%dma_wait3A_218 : memref<800x64xf32, #tpu.memory_space<vmem>>) dst(%dma_wait3A_214 : memref<800x64xf32, #tpu.memory_space<hbm>>)
    %dma_start3A_219 = arith.constant 3 : i32
    %dma_start3A_220 = arith.constant 1 : i32
    %dma_start3A_221 = arith.constant 0 : i32
    %dma_start3A_222 = arith.constant 0 : i32
    %dma_start3A_223 = tpu.memref_slice %arg8[%dma_start3A_220, %dma_start3A_221, %dma_start3A_222] : memref<2x800x64xf32, #tpu.memory_space<vmem>> -> memref<1x800x64xf32, #tpu.memory_space<vmem>>
    %dma_start3A_224 = tpu.memref_squeeze %dma_start3A_223 : memref<1x800x64xf32, #tpu.memory_space<vmem>> -> memref<800x64xf32, #tpu.memory_space<vmem>>
    %dma_start3A_225 = arith.constant 0 : i32
    %dma_start3A_226 = tpu.memref_slice %arg7[%dma_start3A_219, %dma_start3A_225] : memref<8x800xi32, #tpu.memory_space<vmem>> -> memref<1x800xi32, #tpu.memory_space<vmem>>
    %dma_start3A_227 = tpu.memref_squeeze %dma_start3A_226 : memref<1x800xi32, #tpu.memory_space<vmem>> -> memref<800xi32, #tpu.memory_space<vmem>>
    %dma_start3A_228 = arith.constant 0 : i32
    %dma_start3A_229 = arith.constant 0 : i32
    %dma_start3A_230 = tpu.memref_slice %arg4[%dma_start3A_228, %dma_start3A_229] : memref<100000x64xf32, #tpu.memory_space<hbm>> -> memref<100000x64xf32, #tpu.memory_space<hbm>>
    tpu.enqueue_indirect_dma source(%dma_start3A_230 : memref<100000x64xf32, #tpu.memory_space<hbm>>) target(%dma_start3A_224 : memref<800x64xf32, #tpu.memory_space<vmem>>) offsets(%dma_start3A_227 : memref<800xi32, #tpu.memory_space<vmem>>) semaphore(%arg13 : memref<!tpu.dma_semaphore, #tpu.memory_space<semaphore_mem>>)
    %dma_start3A_231 = arith.constant 6 : i32
    %dma_start3A_232 = arith.constant 6 : i32
    %dma_start3A_233 = arith.constant 0 : i32
    %dma_start3A_234 = tpu.memref_slice %arg7[%dma_start3A_232, %dma_start3A_233] : memref<8x800xi32, #tpu.memory_space<vmem>> -> memref<1x800xi32, #tpu.memory_space<vmem>>
    %dma_start3A_235 = tpu.memref_squeeze %dma_start3A_234 : memref<1x800xi32, #tpu.memory_space<vmem>> -> memref<800xi32, #tpu.memory_space<vmem>>
    %dma_start3A_236 = arith.constant 0 : i32
    %dma_start3A_237 = tpu.memref_slice %arg6[%dma_start3A_231, %dma_start3A_236] : memref<8x800xi32, #tpu.memory_space<vmem>> -> memref<1x800xi32, #tpu.memory_space<vmem>>
    %dma_start3A_238 = tpu.memref_squeeze %dma_start3A_237 : memref<1x800xi32, #tpu.memory_space<vmem>> -> memref<800xi32, #tpu.memory_space<vmem>>
    %dma_start3A_239 = arith.constant 0 : i32
    %dma_start3A_240 = tpu.memref_slice %arg2[%dma_start3A_239] : memref<100352xi32, #tpu.memory_space<hbm>> -> memref<100352xi32, #tpu.memory_space<hbm>>
    tpu.enqueue_indirect_dma source(%dma_start3A_240 : memref<100352xi32, #tpu.memory_space<hbm>>) target(%dma_start3A_235 : memref<800xi32, #tpu.memory_space<vmem>>) offsets(%dma_start3A_238 : memref<800xi32, #tpu.memory_space<vmem>>) semaphore(%arg9 : memref<!tpu.dma_semaphore, #tpu.memory_space<semaphore_mem>>)
    %dma_wait3A_241 = arith.constant 2 : i32
    %dma_wait3A_242 = arith.constant 0 : i32
    %dma_wait3A_243 = arith.constant 0 : i32
    %dma_wait3A_244 = arith.constant 0 : i32
    %dma_wait3A_245 = tpu.memref_slice %arg8[%dma_wait3A_242, %dma_wait3A_243, %dma_wait3A_244] : memref<2x800x64xf32, #tpu.memory_space<vmem>> -> memref<1x800x64xf32, #tpu.memory_space<vmem>>
    %dma_wait3A_246 = tpu.memref_squeeze %dma_wait3A_245 : memref<1x800x64xf32, #tpu.memory_space<vmem>> -> memref<800x64xf32, #tpu.memory_space<vmem>>
    %dma_wait3A_247 = arith.constant 0 : i32
    %dma_wait3A_248 = tpu.memref_slice %arg7[%dma_wait3A_241, %dma_wait3A_247] : memref<8x800xi32, #tpu.memory_space<vmem>> -> memref<1x800xi32, #tpu.memory_space<vmem>>
    %dma_wait3A_249 = tpu.memref_squeeze %dma_wait3A_248 : memref<1x800xi32, #tpu.memory_space<vmem>> -> memref<800xi32, #tpu.memory_space<vmem>>
    %dma_wait3A_250 = arith.constant 0 : i32
    %dma_wait3A_251 = arith.constant 0 : i32
    %dma_wait3A_252 = tpu.memref_slice %arg4[%dma_wait3A_250, %dma_wait3A_251] : memref<100000x64xf32, #tpu.memory_space<hbm>> -> memref<100000x64xf32, #tpu.memory_space<hbm>>
    tpu.wait_indirect_dma semaphore(%arg12 : memref<!tpu.dma_semaphore, #tpu.memory_space<semaphore_mem>>) src(%dma_wait3A_252 : memref<100000x64xf32, #tpu.memory_space<hbm>>) dst(%dma_wait3A_246 : memref<800x64xf32, #tpu.memory_space<vmem>>)
    %mul3A_253 = arith.constant 6400 : i32
    %mul3A_254 = arith.muli %add3A, %mul3A_253 : i32
    %add3A_255 = arith.constant 1600 : i32
    %add3A_256 = arith.addi %mul3A_254, %add3A_255 : i32
    %dma_start3A_257 = arith.constant 0 : i32
    %dma_start3A_258 = arith.constant 0 : i32
    %dma_start3A_259 = arith.constant 0 : i32
    %dma_start3A_260 = tpu.memref_slice %arg8[%dma_start3A_257, %dma_start3A_258, %dma_start3A_259] : memref<2x800x64xf32, #tpu.memory_space<vmem>> -> memref<1x800x64xf32, #tpu.memory_space<vmem>>
    %dma_start3A_261 = tpu.memref_squeeze %dma_start3A_260 : memref<1x800x64xf32, #tpu.memory_space<vmem>> -> memref<800x64xf32, #tpu.memory_space<vmem>>
    %dma_start3A_262 = arith.constant 0 : i32
    %dma_start3A_263 = tpu.memref_slice %arg5[%add3A_256, %dma_start3A_262] : memref<204800x64xf32, #tpu.memory_space<hbm>> -> memref<800x64xf32, #tpu.memory_space<hbm>>
    %dma_start3A_264 = arith.constant 0 : i32
    %dma_start3A_265 = tpu.memref_slice %arg5[%add3A_256, %dma_start3A_264] : memref<204800x64xf32, #tpu.memory_space<hbm>> -> memref<800x64xf32, #tpu.memory_space<hbm>>
    %dma_start3A_266 = arith.constant 0 : i32
    %dma_start3A_267 = arith.constant 0 : i32
    %dma_start3A_268 = tpu.memref_slice %arg8[%dma_start3A_257, %dma_start3A_266, %dma_start3A_267] : memref<2x800x64xf32, #tpu.memory_space<vmem>> -> memref<1x800x64xf32, #tpu.memory_space<vmem>>
    %dma_start3A_269 = tpu.memref_squeeze %dma_start3A_268 : memref<1x800x64xf32, #tpu.memory_space<vmem>> -> memref<800x64xf32, #tpu.memory_space<vmem>>
    tpu.enqueue_dma source(%dma_start3A_269 : memref<800x64xf32, #tpu.memory_space<vmem>>) target(%dma_start3A_265 : memref<800x64xf32, #tpu.memory_space<hbm>>) target_semaphore(%arg14 : memref<!tpu.dma_semaphore, #tpu.memory_space<semaphore_mem>>)
    %dma_wait3A_270 = arith.constant 4 : i32
    %dma_wait3A_271 = arith.constant 4 : i32
    %dma_wait3A_272 = arith.constant 0 : i32
    %dma_wait3A_273 = tpu.memref_slice %arg7[%dma_wait3A_271, %dma_wait3A_272] : memref<8x800xi32, #tpu.memory_space<vmem>> -> memref<1x800xi32, #tpu.memory_space<vmem>>
    %dma_wait3A_274 = tpu.memref_squeeze %dma_wait3A_273 : memref<1x800xi32, #tpu.memory_space<vmem>> -> memref<800xi32, #tpu.memory_space<vmem>>
    %dma_wait3A_275 = arith.constant 0 : i32
    %dma_wait3A_276 = tpu.memref_slice %arg6[%dma_wait3A_270, %dma_wait3A_275] : memref<8x800xi32, #tpu.memory_space<vmem>> -> memref<1x800xi32, #tpu.memory_space<vmem>>
    %dma_wait3A_277 = tpu.memref_squeeze %dma_wait3A_276 : memref<1x800xi32, #tpu.memory_space<vmem>> -> memref<800xi32, #tpu.memory_space<vmem>>
    %dma_wait3A_278 = arith.constant 0 : i32
    %dma_wait3A_279 = tpu.memref_slice %arg2[%dma_wait3A_278] : memref<100352xi32, #tpu.memory_space<hbm>> -> memref<100352xi32, #tpu.memory_space<hbm>>
    tpu.wait_indirect_dma semaphore(%arg10 : memref<!tpu.dma_semaphore, #tpu.memory_space<semaphore_mem>>) src(%dma_wait3A_279 : memref<100352xi32, #tpu.memory_space<hbm>>) dst(%dma_wait3A_274 : memref<800xi32, #tpu.memory_space<vmem>>)
    %dma_wait3A_280 = arith.constant 0 : i32
    %dma_wait3A_281 = arith.constant 0 : i32
    %dma_wait3A_282 = arith.constant 0 : i32
    %dma_wait3A_283 = tpu.memref_slice %arg8[%dma_wait3A_280, %dma_wait3A_281, %dma_wait3A_282] : memref<2x800x64xf32, #tpu.memory_space<vmem>> -> memref<1x800x64xf32, #tpu.memory_space<vmem>>
    %dma_wait3A_284 = tpu.memref_squeeze %dma_wait3A_283 : memref<1x800x64xf32, #tpu.memory_space<vmem>> -> memref<800x64xf32, #tpu.memory_space<vmem>>
    %dma_wait3A_285 = arith.constant 0 : i32
    %dma_wait3A_286 = tpu.memref_slice %arg5[%add3A_256, %dma_wait3A_285] : memref<204800x64xf32, #tpu.memory_space<hbm>> -> memref<800x64xf32, #tpu.memory_space<hbm>>
    %dma_wait3A_287 = arith.constant 0 : i32
    %dma_wait3A_288 = tpu.memref_slice %arg5[%add3A_256, %dma_wait3A_287] : memref<204800x64xf32, #tpu.memory_space<hbm>> -> memref<800x64xf32, #tpu.memory_space<hbm>>
    %dma_wait3A_289 = arith.constant 0 : i32
    %dma_wait3A_290 = arith.constant 0 : i32
    %dma_wait3A_291 = tpu.memref_slice %arg8[%dma_wait3A_280, %dma_wait3A_289, %dma_wait3A_290] : memref<2x800x64xf32, #tpu.memory_space<vmem>> -> memref<1x800x64xf32, #tpu.memory_space<vmem>>
    %dma_wait3A_292 = tpu.memref_squeeze %dma_wait3A_291 : memref<1x800x64xf32, #tpu.memory_space<vmem>> -> memref<800x64xf32, #tpu.memory_space<vmem>>
    tpu.wait_dma2 semaphore(%arg14 : memref<!tpu.dma_semaphore, #tpu.memory_space<semaphore_mem>>) src(%dma_wait3A_292 : memref<800x64xf32, #tpu.memory_space<vmem>>) dst(%dma_wait3A_288 : memref<800x64xf32, #tpu.memory_space<hbm>>)
    %dma_start3A_293 = arith.constant 4 : i32
    %dma_start3A_294 = arith.constant 0 : i32
    %dma_start3A_295 = arith.constant 0 : i32
    %dma_start3A_296 = arith.constant 0 : i32
    %dma_start3A_297 = tpu.memref_slice %arg8[%dma_start3A_294, %dma_start3A_295, %dma_start3A_296] : memref<2x800x64xf32, #tpu.memory_space<vmem>> -> memref<1x800x64xf32, #tpu.memory_space<vmem>>
    %dma_start3A_298 = tpu.memref_squeeze %dma_start3A_297 : memref<1x800x64xf32, #tpu.memory_space<vmem>> -> memref<800x64xf32, #tpu.memory_space<vmem>>
    %dma_start3A_299 = arith.constant 0 : i32
    %dma_start3A_300 = tpu.memref_slice %arg7[%dma_start3A_293, %dma_start3A_299] : memref<8x800xi32, #tpu.memory_space<vmem>> -> memref<1x800xi32, #tpu.memory_space<vmem>>
    %dma_start3A_301 = tpu.memref_squeeze %dma_start3A_300 : memref<1x800xi32, #tpu.memory_space<vmem>> -> memref<800xi32, #tpu.memory_space<vmem>>
    %dma_start3A_302 = arith.constant 0 : i32
    %dma_start3A_303 = arith.constant 0 : i32
    %dma_start3A_304 = tpu.memref_slice %arg4[%dma_start3A_302, %dma_start3A_303] : memref<100000x64xf32, #tpu.memory_space<hbm>> -> memref<100000x64xf32, #tpu.memory_space<hbm>>
    tpu.enqueue_indirect_dma source(%dma_start3A_304 : memref<100000x64xf32, #tpu.memory_space<hbm>>) target(%dma_start3A_298 : memref<800x64xf32, #tpu.memory_space<vmem>>) offsets(%dma_start3A_301 : memref<800xi32, #tpu.memory_space<vmem>>) semaphore(%arg12 : memref<!tpu.dma_semaphore, #tpu.memory_space<semaphore_mem>>)
    %dma_start3A_305 = arith.constant 7 : i32
    %dma_start3A_306 = arith.constant 7 : i32
    %dma_start3A_307 = arith.constant 0 : i32
    %dma_start3A_308 = tpu.memref_slice %arg7[%dma_start3A_306, %dma_start3A_307] : memref<8x800xi32, #tpu.memory_space<vmem>> -> memref<1x800xi32, #tpu.memory_space<vmem>>
    %dma_start3A_309 = tpu.memref_squeeze %dma_start3A_308 : memref<1x800xi32, #tpu.memory_space<vmem>> -> memref<800xi32, #tpu.memory_space<vmem>>
    %dma_start3A_310 = arith.constant 0 : i32
    %dma_start3A_311 = tpu.memref_slice %arg6[%dma_start3A_305, %dma_start3A_310] : memref<8x800xi32, #tpu.memory_space<vmem>> -> memref<1x800xi32, #tpu.memory_space<vmem>>
    %dma_start3A_312 = tpu.memref_squeeze %dma_start3A_311 : memref<1x800xi32, #tpu.memory_space<vmem>> -> memref<800xi32, #tpu.memory_space<vmem>>
    %dma_start3A_313 = arith.constant 0 : i32
    %dma_start3A_314 = tpu.memref_slice %arg2[%dma_start3A_313] : memref<100352xi32, #tpu.memory_space<hbm>> -> memref<100352xi32, #tpu.memory_space<hbm>>
    tpu.enqueue_indirect_dma source(%dma_start3A_314 : memref<100352xi32, #tpu.memory_space<hbm>>) target(%dma_start3A_309 : memref<800xi32, #tpu.memory_space<vmem>>) offsets(%dma_start3A_312 : memref<800xi32, #tpu.memory_space<vmem>>) semaphore(%arg10 : memref<!tpu.dma_semaphore, #tpu.memory_space<semaphore_mem>>)
    %dma_wait3A_315 = arith.constant 3 : i32
    %dma_wait3A_316 = arith.constant 1 : i32
    %dma_wait3A_317 = arith.constant 0 : i32
    %dma_wait3A_318 = arith.constant 0 : i32
    %dma_wait3A_319 = tpu.memref_slice %arg8[%dma_wait3A_316, %dma_wait3A_317, %dma_wait3A_318] : memref<2x800x64xf32, #tpu.memory_space<vmem>> -> memref<1x800x64xf32, #tpu.memory_space<vmem>>
    %dma_wait3A_320 = tpu.memref_squeeze %dma_wait3A_319 : memref<1x800x64xf32, #tpu.memory_space<vmem>> -> memref<800x64xf32, #tpu.memory_space<vmem>>
    %dma_wait3A_321 = arith.constant 0 : i32
    %dma_wait3A_322 = tpu.memref_slice %arg7[%dma_wait3A_315, %dma_wait3A_321] : memref<8x800xi32, #tpu.memory_space<vmem>> -> memref<1x800xi32, #tpu.memory_space<vmem>>
    %dma_wait3A_323 = tpu.memref_squeeze %dma_wait3A_322 : memref<1x800xi32, #tpu.memory_space<vmem>> -> memref<800xi32, #tpu.memory_space<vmem>>
    %dma_wait3A_324 = arith.constant 0 : i32
    %dma_wait3A_325 = arith.constant 0 : i32
    %dma_wait3A_326 = tpu.memref_slice %arg4[%dma_wait3A_324, %dma_wait3A_325] : memref<100000x64xf32, #tpu.memory_space<hbm>> -> memref<100000x64xf32, #tpu.memory_space<hbm>>
    tpu.wait_indirect_dma semaphore(%arg13 : memref<!tpu.dma_semaphore, #tpu.memory_space<semaphore_mem>>) src(%dma_wait3A_326 : memref<100000x64xf32, #tpu.memory_space<hbm>>) dst(%dma_wait3A_320 : memref<800x64xf32, #tpu.memory_space<vmem>>)
    %mul3A_327 = arith.constant 6400 : i32
    %mul3A_328 = arith.muli %add3A, %mul3A_327 : i32
    %add3A_329 = arith.constant 2400 : i32
    %add3A_330 = arith.addi %mul3A_328, %add3A_329 : i32
    %dma_start3A_331 = arith.constant 1 : i32
    %dma_start3A_332 = arith.constant 0 : i32
    %dma_start3A_333 = arith.constant 0 : i32
    %dma_start3A_334 = tpu.memref_slice %arg8[%dma_start3A_331, %dma_start3A_332, %dma_start3A_333] : memref<2x800x64xf32, #tpu.memory_space<vmem>> -> memref<1x800x64xf32, #tpu.memory_space<vmem>>
    %dma_start3A_335 = tpu.memref_squeeze %dma_start3A_334 : memref<1x800x64xf32, #tpu.memory_space<vmem>> -> memref<800x64xf32, #tpu.memory_space<vmem>>
    %dma_start3A_336 = arith.constant 0 : i32
    %dma_start3A_337 = tpu.memref_slice %arg5[%add3A_330, %dma_start3A_336] : memref<204800x64xf32, #tpu.memory_space<hbm>> -> memref<800x64xf32, #tpu.memory_space<hbm>>
    %dma_start3A_338 = arith.constant 0 : i32
    %dma_start3A_339 = tpu.memref_slice %arg5[%add3A_330, %dma_start3A_338] : memref<204800x64xf32, #tpu.memory_space<hbm>> -> memref<800x64xf32, #tpu.memory_space<hbm>>
    %dma_start3A_340 = arith.constant 0 : i32
    %dma_start3A_341 = arith.constant 0 : i32
    %dma_start3A_342 = tpu.memref_slice %arg8[%dma_start3A_331, %dma_start3A_340, %dma_start3A_341] : memref<2x800x64xf32, #tpu.memory_space<vmem>> -> memref<1x800x64xf32, #tpu.memory_space<vmem>>
    %dma_start3A_343 = tpu.memref_squeeze %dma_start3A_342 : memref<1x800x64xf32, #tpu.memory_space<vmem>> -> memref<800x64xf32, #tpu.memory_space<vmem>>
    tpu.enqueue_dma source(%dma_start3A_343 : memref<800x64xf32, #tpu.memory_space<vmem>>) target(%dma_start3A_339 : memref<800x64xf32, #tpu.memory_space<hbm>>) target_semaphore(%arg15 : memref<!tpu.dma_semaphore, #tpu.memory_space<semaphore_mem>>)
    %dma_wait3A_344 = arith.constant 5 : i32
    %dma_wait3A_345 = arith.constant 5 : i32
    %dma_wait3A_346 = arith.constant 0 : i32
    %dma_wait3A_347 = tpu.memref_slice %arg7[%dma_wait3A_345, %dma_wait3A_346] : memref<8x800xi32, #tpu.memory_space<vmem>> -> memref<1x800xi32, #tpu.memory_space<vmem>>
    %dma_wait3A_348 = tpu.memref_squeeze %dma_wait3A_347 : memref<1x800xi32, #tpu.memory_space<vmem>> -> memref<800xi32, #tpu.memory_space<vmem>>
    %dma_wait3A_349 = arith.constant 0 : i32
    %dma_wait3A_350 = tpu.memref_slice %arg6[%dma_wait3A_344, %dma_wait3A_349] : memref<8x800xi32, #tpu.memory_space<vmem>> -> memref<1x800xi32, #tpu.memory_space<vmem>>
    %dma_wait3A_351 = tpu.memref_squeeze %dma_wait3A_350 : memref<1x800xi32, #tpu.memory_space<vmem>> -> memref<800xi32, #tpu.memory_space<vmem>>
    %dma_wait3A_352 = arith.constant 0 : i32
    %dma_wait3A_353 = tpu.memref_slice %arg2[%dma_wait3A_352] : memref<100352xi32, #tpu.memory_space<hbm>> -> memref<100352xi32, #tpu.memory_space<hbm>>
    tpu.wait_indirect_dma semaphore(%arg11 : memref<!tpu.dma_semaphore, #tpu.memory_space<semaphore_mem>>) src(%dma_wait3A_353 : memref<100352xi32, #tpu.memory_space<hbm>>) dst(%dma_wait3A_348 : memref<800xi32, #tpu.memory_space<vmem>>)
    %dma_wait3A_354 = arith.constant 1 : i32
    %dma_wait3A_355 = arith.constant 0 : i32
    %dma_wait3A_356 = arith.constant 0 : i32
    %dma_wait3A_357 = tpu.memref_slice %arg8[%dma_wait3A_354, %dma_wait3A_355, %dma_wait3A_356] : memref<2x800x64xf32, #tpu.memory_space<vmem>> -> memref<1x800x64xf32, #tpu.memory_space<vmem>>
    %dma_wait3A_358 = tpu.memref_squeeze %dma_wait3A_357 : memref<1x800x64xf32, #tpu.memory_space<vmem>> -> memref<800x64xf32, #tpu.memory_space<vmem>>
    %dma_wait3A_359 = arith.constant 0 : i32
    %dma_wait3A_360 = tpu.memref_slice %arg5[%add3A_330, %dma_wait3A_359] : memref<204800x64xf32, #tpu.memory_space<hbm>> -> memref<800x64xf32, #tpu.memory_space<hbm>>
    %dma_wait3A_361 = arith.constant 0 : i32
    %dma_wait3A_362 = tpu.memref_slice %arg5[%add3A_330, %dma_wait3A_361] : memref<204800x64xf32, #tpu.memory_space<hbm>> -> memref<800x64xf32, #tpu.memory_space<hbm>>
    %dma_wait3A_363 = arith.constant 0 : i32
    %dma_wait3A_364 = arith.constant 0 : i32
    %dma_wait3A_365 = tpu.memref_slice %arg8[%dma_wait3A_354, %dma_wait3A_363, %dma_wait3A_364] : memref<2x800x64xf32, #tpu.memory_space<vmem>> -> memref<1x800x64xf32, #tpu.memory_space<vmem>>
    %dma_wait3A_366 = tpu.memref_squeeze %dma_wait3A_365 : memref<1x800x64xf32, #tpu.memory_space<vmem>> -> memref<800x64xf32, #tpu.memory_space<vmem>>
    tpu.wait_dma2 semaphore(%arg15 : memref<!tpu.dma_semaphore, #tpu.memory_space<semaphore_mem>>) src(%dma_wait3A_366 : memref<800x64xf32, #tpu.memory_space<vmem>>) dst(%dma_wait3A_362 : memref<800x64xf32, #tpu.memory_space<hbm>>)
    %dma_start3A_367 = arith.constant 5 : i32
    %dma_start3A_368 = arith.constant 1 : i32
    %dma_start3A_369 = arith.constant 0 : i32
    %dma_start3A_370 = arith.constant 0 : i32
    %dma_start3A_371 = tpu.memref_slice %arg8[%dma_start3A_368, %dma_start3A_369, %dma_start3A_370] : memref<2x800x64xf32, #tpu.memory_space<vmem>> -> memref<1x800x64xf32, #tpu.memory_space<vmem>>
    %dma_start3A_372 = tpu.memref_squeeze %dma_start3A_371 : memref<1x800x64xf32, #tpu.memory_space<vmem>> -> memref<800x64xf32, #tpu.memory_space<vmem>>
    %dma_start3A_373 = arith.constant 0 : i32
    %dma_start3A_374 = tpu.memref_slice %arg7[%dma_start3A_367, %dma_start3A_373] : memref<8x800xi32, #tpu.memory_space<vmem>> -> memref<1x800xi32, #tpu.memory_space<vmem>>
    %dma_start3A_375 = tpu.memref_squeeze %dma_start3A_374 : memref<1x800xi32, #tpu.memory_space<vmem>> -> memref<800xi32, #tpu.memory_space<vmem>>
    %dma_start3A_376 = arith.constant 0 : i32
    %dma_start3A_377 = arith.constant 0 : i32
    %dma_start3A_378 = tpu.memref_slice %arg4[%dma_start3A_376, %dma_start3A_377] : memref<100000x64xf32, #tpu.memory_space<hbm>> -> memref<100000x64xf32, #tpu.memory_space<hbm>>
    tpu.enqueue_indirect_dma source(%dma_start3A_378 : memref<100000x64xf32, #tpu.memory_space<hbm>>) target(%dma_start3A_372 : memref<800x64xf32, #tpu.memory_space<vmem>>) offsets(%dma_start3A_375 : memref<800xi32, #tpu.memory_space<vmem>>) semaphore(%arg13 : memref<!tpu.dma_semaphore, #tpu.memory_space<semaphore_mem>>)
    %dma_wait3A_379 = arith.constant 4 : i32
    %dma_wait3A_380 = arith.constant 0 : i32
    %dma_wait3A_381 = arith.constant 0 : i32
    %dma_wait3A_382 = arith.constant 0 : i32
    %dma_wait3A_383 = tpu.memref_slice %arg8[%dma_wait3A_380, %dma_wait3A_381, %dma_wait3A_382] : memref<2x800x64xf32, #tpu.memory_space<vmem>> -> memref<1x800x64xf32, #tpu.memory_space<vmem>>
    %dma_wait3A_384 = tpu.memref_squeeze %dma_wait3A_383 : memref<1x800x64xf32, #tpu.memory_space<vmem>> -> memref<800x64xf32, #tpu.memory_space<vmem>>
    %dma_wait3A_385 = arith.constant 0 : i32
    %dma_wait3A_386 = tpu.memref_slice %arg7[%dma_wait3A_379, %dma_wait3A_385] : memref<8x800xi32, #tpu.memory_space<vmem>> -> memref<1x800xi32, #tpu.memory_space<vmem>>
    %dma_wait3A_387 = tpu.memref_squeeze %dma_wait3A_386 : memref<1x800xi32, #tpu.memory_space<vmem>> -> memref<800xi32, #tpu.memory_space<vmem>>
    %dma_wait3A_388 = arith.constant 0 : i32
    %dma_wait3A_389 = arith.constant 0 : i32
    %dma_wait3A_390 = tpu.memref_slice %arg4[%dma_wait3A_388, %dma_wait3A_389] : memref<100000x64xf32, #tpu.memory_space<hbm>> -> memref<100000x64xf32, #tpu.memory_space<hbm>>
    tpu.wait_indirect_dma semaphore(%arg12 : memref<!tpu.dma_semaphore, #tpu.memory_space<semaphore_mem>>) src(%dma_wait3A_390 : memref<100000x64xf32, #tpu.memory_space<hbm>>) dst(%dma_wait3A_384 : memref<800x64xf32, #tpu.memory_space<vmem>>)
    %mul3A_391 = arith.constant 6400 : i32
    %mul3A_392 = arith.muli %add3A, %mul3A_391 : i32
    %add3A_393 = arith.constant 3200 : i32
    %add3A_394 = arith.addi %mul3A_392, %add3A_393 : i32
    %dma_start3A_395 = arith.constant 0 : i32
    %dma_start3A_396 = arith.constant 0 : i32
    %dma_start3A_397 = arith.constant 0 : i32
    %dma_start3A_398 = tpu.memref_slice %arg8[%dma_start3A_395, %dma_start3A_396, %dma_start3A_397] : memref<2x800x64xf32, #tpu.memory_space<vmem>> -> memref<1x800x64xf32, #tpu.memory_space<vmem>>
    %dma_start3A_399 = tpu.memref_squeeze %dma_start3A_398 : memref<1x800x64xf32, #tpu.memory_space<vmem>> -> memref<800x64xf32, #tpu.memory_space<vmem>>
    %dma_start3A_400 = arith.constant 0 : i32
    %dma_start3A_401 = tpu.memref_slice %arg5[%add3A_394, %dma_start3A_400] : memref<204800x64xf32, #tpu.memory_space<hbm>> -> memref<800x64xf32, #tpu.memory_space<hbm>>
    %dma_start3A_402 = arith.constant 0 : i32
    %dma_start3A_403 = tpu.memref_slice %arg5[%add3A_394, %dma_start3A_402] : memref<204800x64xf32, #tpu.memory_space<hbm>> -> memref<800x64xf32, #tpu.memory_space<hbm>>
    %dma_start3A_404 = arith.constant 0 : i32
    %dma_start3A_405 = arith.constant 0 : i32
    %dma_start3A_406 = tpu.memref_slice %arg8[%dma_start3A_395, %dma_start3A_404, %dma_start3A_405] : memref<2x800x64xf32, #tpu.memory_space<vmem>> -> memref<1x800x64xf32, #tpu.memory_space<vmem>>
    %dma_start3A_407 = tpu.memref_squeeze %dma_start3A_406 : memref<1x800x64xf32, #tpu.memory_space<vmem>> -> memref<800x64xf32, #tpu.memory_space<vmem>>
    tpu.enqueue_dma source(%dma_start3A_407 : memref<800x64xf32, #tpu.memory_space<vmem>>) target(%dma_start3A_403 : memref<800x64xf32, #tpu.memory_space<hbm>>) target_semaphore(%arg14 : memref<!tpu.dma_semaphore, #tpu.memory_space<semaphore_mem>>)
    %dma_wait3A_408 = arith.constant 6 : i32
    %dma_wait3A_409 = arith.constant 6 : i32
    %dma_wait3A_410 = arith.constant 0 : i32
    %dma_wait3A_411 = tpu.memref_slice %arg7[%dma_wait3A_409, %dma_wait3A_410] : memref<8x800xi32, #tpu.memory_space<vmem>> -> memref<1x800xi32, #tpu.memory_space<vmem>>
    %dma_wait3A_412 = tpu.memref_squeeze %dma_wait3A_411 : memref<1x800xi32, #tpu.memory_space<vmem>> -> memref<800xi32, #tpu.memory_space<vmem>>
    %dma_wait3A_413 = arith.constant 0 : i32
    %dma_wait3A_414 = tpu.memref_slice %arg6[%dma_wait3A_408, %dma_wait3A_413] : memref<8x800xi32, #tpu.memory_space<vmem>> -> memref<1x800xi32, #tpu.memory_space<vmem>>
    %dma_wait3A_415 = tpu.memref_squeeze %dma_wait3A_414 : memref<1x800xi32, #tpu.memory_space<vmem>> -> memref<800xi32, #tpu.memory_space<vmem>>
    %dma_wait3A_416 = arith.constant 0 : i32
    %dma_wait3A_417 = tpu.memref_slice %arg2[%dma_wait3A_416] : memref<100352xi32, #tpu.memory_space<hbm>> -> memref<100352xi32, #tpu.memory_space<hbm>>
    tpu.wait_indirect_dma semaphore(%arg9 : memref<!tpu.dma_semaphore, #tpu.memory_space<semaphore_mem>>) src(%dma_wait3A_417 : memref<100352xi32, #tpu.memory_space<hbm>>) dst(%dma_wait3A_412 : memref<800xi32, #tpu.memory_space<vmem>>)
    %dma_wait3A_418 = arith.constant 0 : i32
    %dma_wait3A_419 = arith.constant 0 : i32
    %dma_wait3A_420 = arith.constant 0 : i32
    %dma_wait3A_421 = tpu.memref_slice %arg8[%dma_wait3A_418, %dma_wait3A_419, %dma_wait3A_420] : memref<2x800x64xf32, #tpu.memory_space<vmem>> -> memref<1x800x64xf32, #tpu.memory_space<vmem>>
    %dma_wait3A_422 = tpu.memref_squeeze %dma_wait3A_421 : memref<1x800x64xf32, #tpu.memory_space<vmem>> -> memref<800x64xf32, #tpu.memory_space<vmem>>
    %dma_wait3A_423 = arith.constant 0 : i32
    %dma_wait3A_424 = tpu.memref_slice %arg5[%add3A_394, %dma_wait3A_423] : memref<204800x64xf32, #tpu.memory_space<hbm>> -> memref<800x64xf32, #tpu.memory_space<hbm>>
    %dma_wait3A_425 = arith.constant 0 : i32
    %dma_wait3A_426 = tpu.memref_slice %arg5[%add3A_394, %dma_wait3A_425] : memref<204800x64xf32, #tpu.memory_space<hbm>> -> memref<800x64xf32, #tpu.memory_space<hbm>>
    %dma_wait3A_427 = arith.constant 0 : i32
    %dma_wait3A_428 = arith.constant 0 : i32
    %dma_wait3A_429 = tpu.memref_slice %arg8[%dma_wait3A_418, %dma_wait3A_427, %dma_wait3A_428] : memref<2x800x64xf32, #tpu.memory_space<vmem>> -> memref<1x800x64xf32, #tpu.memory_space<vmem>>
    %dma_wait3A_430 = tpu.memref_squeeze %dma_wait3A_429 : memref<1x800x64xf32, #tpu.memory_space<vmem>> -> memref<800x64xf32, #tpu.memory_space<vmem>>
    tpu.wait_dma2 semaphore(%arg14 : memref<!tpu.dma_semaphore, #tpu.memory_space<semaphore_mem>>) src(%dma_wait3A_430 : memref<800x64xf32, #tpu.memory_space<vmem>>) dst(%dma_wait3A_426 : memref<800x64xf32, #tpu.memory_space<hbm>>)
    %dma_start3A_431 = arith.constant 6 : i32
    %dma_start3A_432 = arith.constant 0 : i32
    %dma_start3A_433 = arith.constant 0 : i32
    %dma_start3A_434 = arith.constant 0 : i32
    %dma_start3A_435 = tpu.memref_slice %arg8[%dma_start3A_432, %dma_start3A_433, %dma_start3A_434] : memref<2x800x64xf32, #tpu.memory_space<vmem>> -> memref<1x800x64xf32, #tpu.memory_space<vmem>>
    %dma_start3A_436 = tpu.memref_squeeze %dma_start3A_435 : memref<1x800x64xf32, #tpu.memory_space<vmem>> -> memref<800x64xf32, #tpu.memory_space<vmem>>
    %dma_start3A_437 = arith.constant 0 : i32
    %dma_start3A_438 = tpu.memref_slice %arg7[%dma_start3A_431, %dma_start3A_437] : memref<8x800xi32, #tpu.memory_space<vmem>> -> memref<1x800xi32, #tpu.memory_space<vmem>>
    %dma_start3A_439 = tpu.memref_squeeze %dma_start3A_438 : memref<1x800xi32, #tpu.memory_space<vmem>> -> memref<800xi32, #tpu.memory_space<vmem>>
    %dma_start3A_440 = arith.constant 0 : i32
    %dma_start3A_441 = arith.constant 0 : i32
    %dma_start3A_442 = tpu.memref_slice %arg4[%dma_start3A_440, %dma_start3A_441] : memref<100000x64xf32, #tpu.memory_space<hbm>> -> memref<100000x64xf32, #tpu.memory_space<hbm>>
    tpu.enqueue_indirect_dma source(%dma_start3A_442 : memref<100000x64xf32, #tpu.memory_space<hbm>>) target(%dma_start3A_436 : memref<800x64xf32, #tpu.memory_space<vmem>>) offsets(%dma_start3A_439 : memref<800xi32, #tpu.memory_space<vmem>>) semaphore(%arg12 : memref<!tpu.dma_semaphore, #tpu.memory_space<semaphore_mem>>)
    %dma_wait3A_443 = arith.constant 5 : i32
    %dma_wait3A_444 = arith.constant 1 : i32
    %dma_wait3A_445 = arith.constant 0 : i32
    %dma_wait3A_446 = arith.constant 0 : i32
    %dma_wait3A_447 = tpu.memref_slice %arg8[%dma_wait3A_444, %dma_wait3A_445, %dma_wait3A_446] : memref<2x800x64xf32, #tpu.memory_space<vmem>> -> memref<1x800x64xf32, #tpu.memory_space<vmem>>
    %dma_wait3A_448 = tpu.memref_squeeze %dma_wait3A_447 : memref<1x800x64xf32, #tpu.memory_space<vmem>> -> memref<800x64xf32, #tpu.memory_space<vmem>>
    %dma_wait3A_449 = arith.constant 0 : i32
    %dma_wait3A_450 = tpu.memref_slice %arg7[%dma_wait3A_443, %dma_wait3A_449] : memref<8x800xi32, #tpu.memory_space<vmem>> -> memref<1x800xi32, #tpu.memory_space<vmem>>
    %dma_wait3A_451 = tpu.memref_squeeze %dma_wait3A_450 : memref<1x800xi32, #tpu.memory_space<vmem>> -> memref<800xi32, #tpu.memory_space<vmem>>
    %dma_wait3A_452 = arith.constant 0 : i32
    %dma_wait3A_453 = arith.constant 0 : i32
    %dma_wait3A_454 = tpu.memref_slice %arg4[%dma_wait3A_452, %dma_wait3A_453] : memref<100000x64xf32, #tpu.memory_space<hbm>> -> memref<100000x64xf32, #tpu.memory_space<hbm>>
    tpu.wait_indirect_dma semaphore(%arg13 : memref<!tpu.dma_semaphore, #tpu.memory_space<semaphore_mem>>) src(%dma_wait3A_454 : memref<100000x64xf32, #tpu.memory_space<hbm>>) dst(%dma_wait3A_448 : memref<800x64xf32, #tpu.memory_space<vmem>>)
    %mul3A_455 = arith.constant 6400 : i32
    %mul3A_456 = arith.muli %add3A, %mul3A_455 : i32
    %add3A_457 = arith.constant 4000 : i32
    %add3A_458 = arith.addi %mul3A_456, %add3A_457 : i32
    %dma_start3A_459 = arith.constant 1 : i32
    %dma_start3A_460 = arith.constant 0 : i32
    %dma_start3A_461 = arith.constant 0 : i32
    %dma_start3A_462 = tpu.memref_slice %arg8[%dma_start3A_459, %dma_start3A_460, %dma_start3A_461] : memref<2x800x64xf32, #tpu.memory_space<vmem>> -> memref<1x800x64xf32, #tpu.memory_space<vmem>>
    %dma_start3A_463 = tpu.memref_squeeze %dma_start3A_462 : memref<1x800x64xf32, #tpu.memory_space<vmem>> -> memref<800x64xf32, #tpu.memory_space<vmem>>
    %dma_start3A_464 = arith.constant 0 : i32
    %dma_start3A_465 = tpu.memref_slice %arg5[%add3A_458, %dma_start3A_464] : memref<204800x64xf32, #tpu.memory_space<hbm>> -> memref<800x64xf32, #tpu.memory_space<hbm>>
    %dma_start3A_466 = arith.constant 0 : i32
    %dma_start3A_467 = tpu.memref_slice %arg5[%add3A_458, %dma_start3A_466] : memref<204800x64xf32, #tpu.memory_space<hbm>> -> memref<800x64xf32, #tpu.memory_space<hbm>>
    %dma_start3A_468 = arith.constant 0 : i32
    %dma_start3A_469 = arith.constant 0 : i32
    %dma_start3A_470 = tpu.memref_slice %arg8[%dma_start3A_459, %dma_start3A_468, %dma_start3A_469] : memref<2x800x64xf32, #tpu.memory_space<vmem>> -> memref<1x800x64xf32, #tpu.memory_space<vmem>>
    %dma_start3A_471 = tpu.memref_squeeze %dma_start3A_470 : memref<1x800x64xf32, #tpu.memory_space<vmem>> -> memref<800x64xf32, #tpu.memory_space<vmem>>
    tpu.enqueue_dma source(%dma_start3A_471 : memref<800x64xf32, #tpu.memory_space<vmem>>) target(%dma_start3A_467 : memref<800x64xf32, #tpu.memory_space<hbm>>) target_semaphore(%arg15 : memref<!tpu.dma_semaphore, #tpu.memory_space<semaphore_mem>>)
    %dma_wait3A_472 = arith.constant 7 : i32
    %dma_wait3A_473 = arith.constant 7 : i32
    %dma_wait3A_474 = arith.constant 0 : i32
    %dma_wait3A_475 = tpu.memref_slice %arg7[%dma_wait3A_473, %dma_wait3A_474] : memref<8x800xi32, #tpu.memory_space<vmem>> -> memref<1x800xi32, #tpu.memory_space<vmem>>
    %dma_wait3A_476 = tpu.memref_squeeze %dma_wait3A_475 : memref<1x800xi32, #tpu.memory_space<vmem>> -> memref<800xi32, #tpu.memory_space<vmem>>
    %dma_wait3A_477 = arith.constant 0 : i32
    %dma_wait3A_478 = tpu.memref_slice %arg6[%dma_wait3A_472, %dma_wait3A_477] : memref<8x800xi32, #tpu.memory_space<vmem>> -> memref<1x800xi32, #tpu.memory_space<vmem>>
    %dma_wait3A_479 = tpu.memref_squeeze %dma_wait3A_478 : memref<1x800xi32, #tpu.memory_space<vmem>> -> memref<800xi32, #tpu.memory_space<vmem>>
    %dma_wait3A_480 = arith.constant 0 : i32
    %dma_wait3A_481 = tpu.memref_slice %arg2[%dma_wait3A_480] : memref<100352xi32, #tpu.memory_space<hbm>> -> memref<100352xi32, #tpu.memory_space<hbm>>
    tpu.wait_indirect_dma semaphore(%arg10 : memref<!tpu.dma_semaphore, #tpu.memory_space<semaphore_mem>>) src(%dma_wait3A_481 : memref<100352xi32, #tpu.memory_space<hbm>>) dst(%dma_wait3A_476 : memref<800xi32, #tpu.memory_space<vmem>>)
    %dma_wait3A_482 = arith.constant 1 : i32
    %dma_wait3A_483 = arith.constant 0 : i32
    %dma_wait3A_484 = arith.constant 0 : i32
    %dma_wait3A_485 = tpu.memref_slice %arg8[%dma_wait3A_482, %dma_wait3A_483, %dma_wait3A_484] : memref<2x800x64xf32, #tpu.memory_space<vmem>> -> memref<1x800x64xf32, #tpu.memory_space<vmem>>
    %dma_wait3A_486 = tpu.memref_squeeze %dma_wait3A_485 : memref<1x800x64xf32, #tpu.memory_space<vmem>> -> memref<800x64xf32, #tpu.memory_space<vmem>>
    %dma_wait3A_487 = arith.constant 0 : i32
    %dma_wait3A_488 = tpu.memref_slice %arg5[%add3A_458, %dma_wait3A_487] : memref<204800x64xf32, #tpu.memory_space<hbm>> -> memref<800x64xf32, #tpu.memory_space<hbm>>
    %dma_wait3A_489 = arith.constant 0 : i32
    %dma_wait3A_490 = tpu.memref_slice %arg5[%add3A_458, %dma_wait3A_489] : memref<204800x64xf32, #tpu.memory_space<hbm>> -> memref<800x64xf32, #tpu.memory_space<hbm>>
    %dma_wait3A_491 = arith.constant 0 : i32
    %dma_wait3A_492 = arith.constant 0 : i32
    %dma_wait3A_493 = tpu.memref_slice %arg8[%dma_wait3A_482, %dma_wait3A_491, %dma_wait3A_492] : memref<2x800x64xf32, #tpu.memory_space<vmem>> -> memref<1x800x64xf32, #tpu.memory_space<vmem>>
    %dma_wait3A_494 = tpu.memref_squeeze %dma_wait3A_493 : memref<1x800x64xf32, #tpu.memory_space<vmem>> -> memref<800x64xf32, #tpu.memory_space<vmem>>
    tpu.wait_dma2 semaphore(%arg15 : memref<!tpu.dma_semaphore, #tpu.memory_space<semaphore_mem>>) src(%dma_wait3A_494 : memref<800x64xf32, #tpu.memory_space<vmem>>) dst(%dma_wait3A_490 : memref<800x64xf32, #tpu.memory_space<hbm>>)
    %dma_start3A_495 = arith.constant 7 : i32
    %dma_start3A_496 = arith.constant 1 : i32
    %dma_start3A_497 = arith.constant 0 : i32
    %dma_start3A_498 = arith.constant 0 : i32
    %dma_start3A_499 = tpu.memref_slice %arg8[%dma_start3A_496, %dma_start3A_497, %dma_start3A_498] : memref<2x800x64xf32, #tpu.memory_space<vmem>> -> memref<1x800x64xf32, #tpu.memory_space<vmem>>
    %dma_start3A_500 = tpu.memref_squeeze %dma_start3A_499 : memref<1x800x64xf32, #tpu.memory_space<vmem>> -> memref<800x64xf32, #tpu.memory_space<vmem>>
    %dma_start3A_501 = arith.constant 0 : i32
    %dma_start3A_502 = tpu.memref_slice %arg7[%dma_start3A_495, %dma_start3A_501] : memref<8x800xi32, #tpu.memory_space<vmem>> -> memref<1x800xi32, #tpu.memory_space<vmem>>
    %dma_start3A_503 = tpu.memref_squeeze %dma_start3A_502 : memref<1x800xi32, #tpu.memory_space<vmem>> -> memref<800xi32, #tpu.memory_space<vmem>>
    %dma_start3A_504 = arith.constant 0 : i32
    %dma_start3A_505 = arith.constant 0 : i32
    %dma_start3A_506 = tpu.memref_slice %arg4[%dma_start3A_504, %dma_start3A_505] : memref<100000x64xf32, #tpu.memory_space<hbm>> -> memref<100000x64xf32, #tpu.memory_space<hbm>>
    tpu.enqueue_indirect_dma source(%dma_start3A_506 : memref<100000x64xf32, #tpu.memory_space<hbm>>) target(%dma_start3A_500 : memref<800x64xf32, #tpu.memory_space<vmem>>) offsets(%dma_start3A_503 : memref<800xi32, #tpu.memory_space<vmem>>) semaphore(%arg13 : memref<!tpu.dma_semaphore, #tpu.memory_space<semaphore_mem>>)
    %dma_wait3A_507 = arith.constant 6 : i32
    %dma_wait3A_508 = arith.constant 0 : i32
    %dma_wait3A_509 = arith.constant 0 : i32
    %dma_wait3A_510 = arith.constant 0 : i32
    %dma_wait3A_511 = tpu.memref_slice %arg8[%dma_wait3A_508, %dma_wait3A_509, %dma_wait3A_510] : memref<2x800x64xf32, #tpu.memory_space<vmem>> -> memref<1x800x64xf32, #tpu.memory_space<vmem>>
    %dma_wait3A_512 = tpu.memref_squeeze %dma_wait3A_511 : memref<1x800x64xf32, #tpu.memory_space<vmem>> -> memref<800x64xf32, #tpu.memory_space<vmem>>
    %dma_wait3A_513 = arith.constant 0 : i32
    %dma_wait3A_514 = tpu.memref_slice %arg7[%dma_wait3A_507, %dma_wait3A_513] : memref<8x800xi32, #tpu.memory_space<vmem>> -> memref<1x800xi32, #tpu.memory_space<vmem>>
    %dma_wait3A_515 = tpu.memref_squeeze %dma_wait3A_514 : memref<1x800xi32, #tpu.memory_space<vmem>> -> memref<800xi32, #tpu.memory_space<vmem>>
    %dma_wait3A_516 = arith.constant 0 : i32
    %dma_wait3A_517 = arith.constant 0 : i32
    %dma_wait3A_518 = tpu.memref_slice %arg4[%dma_wait3A_516, %dma_wait3A_517] : memref<100000x64xf32, #tpu.memory_space<hbm>> -> memref<100000x64xf32, #tpu.memory_space<hbm>>
    tpu.wait_indirect_dma semaphore(%arg12 : memref<!tpu.dma_semaphore, #tpu.memory_space<semaphore_mem>>) src(%dma_wait3A_518 : memref<100000x64xf32, #tpu.memory_space<hbm>>) dst(%dma_wait3A_512 : memref<800x64xf32, #tpu.memory_space<vmem>>)
    %mul3A_519 = arith.constant 6400 : i32
    %mul3A_520 = arith.muli %add3A, %mul3A_519 : i32
    %add3A_521 = arith.constant 4800 : i32
    %add3A_522 = arith.addi %mul3A_520, %add3A_521 : i32
    %dma_start3A_523 = arith.constant 0 : i32
    %dma_start3A_524 = arith.constant 0 : i32
    %dma_start3A_525 = arith.constant 0 : i32
    %dma_start3A_526 = tpu.memref_slice %arg8[%dma_start3A_523, %dma_start3A_524, %dma_start3A_525] : memref<2x800x64xf32, #tpu.memory_space<vmem>> -> memref<1x800x64xf32, #tpu.memory_space<vmem>>
    %dma_start3A_527 = tpu.memref_squeeze %dma_start3A_526 : memref<1x800x64xf32, #tpu.memory_space<vmem>> -> memref<800x64xf32, #tpu.memory_space<vmem>>
    %dma_start3A_528 = arith.constant 0 : i32
    %dma_start3A_529 = tpu.memref_slice %arg5[%add3A_522, %dma_start3A_528] : memref<204800x64xf32, #tpu.memory_space<hbm>> -> memref<800x64xf32, #tpu.memory_space<hbm>>
    %dma_start3A_530 = arith.constant 0 : i32
    %dma_start3A_531 = tpu.memref_slice %arg5[%add3A_522, %dma_start3A_530] : memref<204800x64xf32, #tpu.memory_space<hbm>> -> memref<800x64xf32, #tpu.memory_space<hbm>>
    %dma_start3A_532 = arith.constant 0 : i32
    %dma_start3A_533 = arith.constant 0 : i32
    %dma_start3A_534 = tpu.memref_slice %arg8[%dma_start3A_523, %dma_start3A_532, %dma_start3A_533] : memref<2x800x64xf32, #tpu.memory_space<vmem>> -> memref<1x800x64xf32, #tpu.memory_space<vmem>>
    %dma_start3A_535 = tpu.memref_squeeze %dma_start3A_534 : memref<1x800x64xf32, #tpu.memory_space<vmem>> -> memref<800x64xf32, #tpu.memory_space<vmem>>
    tpu.enqueue_dma source(%dma_start3A_535 : memref<800x64xf32, #tpu.memory_space<vmem>>) target(%dma_start3A_531 : memref<800x64xf32, #tpu.memory_space<hbm>>) target_semaphore(%arg14 : memref<!tpu.dma_semaphore, #tpu.memory_space<semaphore_mem>>)
    %dma_wait3A_536 = arith.constant 7 : i32
    %dma_wait3A_537 = arith.constant 1 : i32
    %dma_wait3A_538 = arith.constant 0 : i32
    %dma_wait3A_539 = arith.constant 0 : i32
    %dma_wait3A_540 = tpu.memref_slice %arg8[%dma_wait3A_537, %dma_wait3A_538, %dma_wait3A_539] : memref<2x800x64xf32, #tpu.memory_space<vmem>> -> memref<1x800x64xf32, #tpu.memory_space<vmem>>
    %dma_wait3A_541 = tpu.memref_squeeze %dma_wait3A_540 : memref<1x800x64xf32, #tpu.memory_space<vmem>> -> memref<800x64xf32, #tpu.memory_space<vmem>>
    %dma_wait3A_542 = arith.constant 0 : i32
    %dma_wait3A_543 = tpu.memref_slice %arg7[%dma_wait3A_536, %dma_wait3A_542] : memref<8x800xi32, #tpu.memory_space<vmem>> -> memref<1x800xi32, #tpu.memory_space<vmem>>
    %dma_wait3A_544 = tpu.memref_squeeze %dma_wait3A_543 : memref<1x800xi32, #tpu.memory_space<vmem>> -> memref<800xi32, #tpu.memory_space<vmem>>
    %dma_wait3A_545 = arith.constant 0 : i32
    %dma_wait3A_546 = arith.constant 0 : i32
    %dma_wait3A_547 = tpu.memref_slice %arg4[%dma_wait3A_545, %dma_wait3A_546] : memref<100000x64xf32, #tpu.memory_space<hbm>> -> memref<100000x64xf32, #tpu.memory_space<hbm>>
    tpu.wait_indirect_dma semaphore(%arg13 : memref<!tpu.dma_semaphore, #tpu.memory_space<semaphore_mem>>) src(%dma_wait3A_547 : memref<100000x64xf32, #tpu.memory_space<hbm>>) dst(%dma_wait3A_541 : memref<800x64xf32, #tpu.memory_space<vmem>>)
    %mul3A_548 = arith.constant 6400 : i32
    %mul3A_549 = arith.muli %add3A, %mul3A_548 : i32
    %add3A_550 = arith.constant 5600 : i32
    %add3A_551 = arith.addi %mul3A_549, %add3A_550 : i32
    %dma_start3A_552 = arith.constant 1 : i32
    %dma_start3A_553 = arith.constant 0 : i32
    %dma_start3A_554 = arith.constant 0 : i32
    %dma_start3A_555 = tpu.memref_slice %arg8[%dma_start3A_552, %dma_start3A_553, %dma_start3A_554] : memref<2x800x64xf32, #tpu.memory_space<vmem>> -> memref<1x800x64xf32, #tpu.memory_space<vmem>>
    %dma_start3A_556 = tpu.memref_squeeze %dma_start3A_555 : memref<1x800x64xf32, #tpu.memory_space<vmem>> -> memref<800x64xf32, #tpu.memory_space<vmem>>
    %dma_start3A_557 = arith.constant 0 : i32
    %dma_start3A_558 = tpu.memref_slice %arg5[%add3A_551, %dma_start3A_557] : memref<204800x64xf32, #tpu.memory_space<hbm>> -> memref<800x64xf32, #tpu.memory_space<hbm>>
    %dma_start3A_559 = arith.constant 0 : i32
    %dma_start3A_560 = tpu.memref_slice %arg5[%add3A_551, %dma_start3A_559] : memref<204800x64xf32, #tpu.memory_space<hbm>> -> memref<800x64xf32, #tpu.memory_space<hbm>>
    %dma_start3A_561 = arith.constant 0 : i32
    %dma_start3A_562 = arith.constant 0 : i32
    %dma_start3A_563 = tpu.memref_slice %arg8[%dma_start3A_552, %dma_start3A_561, %dma_start3A_562] : memref<2x800x64xf32, #tpu.memory_space<vmem>> -> memref<1x800x64xf32, #tpu.memory_space<vmem>>
    %dma_start3A_564 = tpu.memref_squeeze %dma_start3A_563 : memref<1x800x64xf32, #tpu.memory_space<vmem>> -> memref<800x64xf32, #tpu.memory_space<vmem>>
    tpu.enqueue_dma source(%dma_start3A_564 : memref<800x64xf32, #tpu.memory_space<vmem>>) target(%dma_start3A_560 : memref<800x64xf32, #tpu.memory_space<hbm>>) target_semaphore(%arg15 : memref<!tpu.dma_semaphore, #tpu.memory_space<semaphore_mem>>)
    %dma_wait3A_565 = arith.constant 0 : i32
    %dma_wait3A_566 = arith.constant 0 : i32
    %dma_wait3A_567 = arith.constant 0 : i32
    %dma_wait3A_568 = tpu.memref_slice %arg8[%dma_wait3A_565, %dma_wait3A_566, %dma_wait3A_567] : memref<2x800x64xf32, #tpu.memory_space<vmem>> -> memref<1x800x64xf32, #tpu.memory_space<vmem>>
    %dma_wait3A_569 = tpu.memref_squeeze %dma_wait3A_568 : memref<1x800x64xf32, #tpu.memory_space<vmem>> -> memref<800x64xf32, #tpu.memory_space<vmem>>
    %dma_wait3A_570 = arith.constant 0 : i32
    %dma_wait3A_571 = tpu.memref_slice %arg5[%add3A_522, %dma_wait3A_570] : memref<204800x64xf32, #tpu.memory_space<hbm>> -> memref<800x64xf32, #tpu.memory_space<hbm>>
    %dma_wait3A_572 = arith.constant 0 : i32
    %dma_wait3A_573 = tpu.memref_slice %arg5[%add3A_522, %dma_wait3A_572] : memref<204800x64xf32, #tpu.memory_space<hbm>> -> memref<800x64xf32, #tpu.memory_space<hbm>>
    %dma_wait3A_574 = arith.constant 0 : i32
    %dma_wait3A_575 = arith.constant 0 : i32
    %dma_wait3A_576 = tpu.memref_slice %arg8[%dma_wait3A_565, %dma_wait3A_574, %dma_wait3A_575] : memref<2x800x64xf32, #tpu.memory_space<vmem>> -> memref<1x800x64xf32, #tpu.memory_space<vmem>>
    %dma_wait3A_577 = tpu.memref_squeeze %dma_wait3A_576 : memref<1x800x64xf32, #tpu.memory_space<vmem>> -> memref<800x64xf32, #tpu.memory_space<vmem>>
    tpu.wait_dma2 semaphore(%arg14 : memref<!tpu.dma_semaphore, #tpu.memory_space<semaphore_mem>>) src(%dma_wait3A_577 : memref<800x64xf32, #tpu.memory_space<vmem>>) dst(%dma_wait3A_573 : memref<800x64xf32, #tpu.memory_space<hbm>>)
    %dma_wait3A_578 = arith.constant 1 : i32
    %dma_wait3A_579 = arith.constant 0 : i32
    %dma_wait3A_580 = arith.constant 0 : i32
    %dma_wait3A_581 = tpu.memref_slice %arg8[%dma_wait3A_578, %dma_wait3A_579, %dma_wait3A_580] : memref<2x800x64xf32, #tpu.memory_space<vmem>> -> memref<1x800x64xf32, #tpu.memory_space<vmem>>
    %dma_wait3A_582 = tpu.memref_squeeze %dma_wait3A_581 : memref<1x800x64xf32, #tpu.memory_space<vmem>> -> memref<800x64xf32, #tpu.memory_space<vmem>>
    %dma_wait3A_583 = arith.constant 0 : i32
    %dma_wait3A_584 = tpu.memref_slice %arg5[%add3A_551, %dma_wait3A_583] : memref<204800x64xf32, #tpu.memory_space<hbm>> -> memref<800x64xf32, #tpu.memory_space<hbm>>
    %dma_wait3A_585 = arith.constant 0 : i32
    %dma_wait3A_586 = tpu.memref_slice %arg5[%add3A_551, %dma_wait3A_585] : memref<204800x64xf32, #tpu.memory_space<hbm>> -> memref<800x64xf32, #tpu.memory_space<hbm>>
    %dma_wait3A_587 = arith.constant 0 : i32
    %dma_wait3A_588 = arith.constant 0 : i32
    %dma_wait3A_589 = tpu.memref_slice %arg8[%dma_wait3A_578, %dma_wait3A_587, %dma_wait3A_588] : memref<2x800x64xf32, #tpu.memory_space<vmem>> -> memref<1x800x64xf32, #tpu.memory_space<vmem>>
    %dma_wait3A_590 = tpu.memref_squeeze %dma_wait3A_589 : memref<1x800x64xf32, #tpu.memory_space<vmem>> -> memref<800x64xf32, #tpu.memory_space<vmem>>
    tpu.wait_dma2 semaphore(%arg15 : memref<!tpu.dma_semaphore, #tpu.memory_space<semaphore_mem>>) src(%dma_wait3A_590 : memref<800x64xf32, #tpu.memory_space<vmem>>) dst(%dma_wait3A_586 : memref<800x64xf32, #tpu.memory_space<hbm>>)
    return
  }
}

#map = affine_map<(d0, d1) -> (0)>
#map1 = affine_map<(d0, d1) -> (0, 0)>
module attributes {stable_mosaic.version = 14 : i64} {
  func.func @_k1_body(%arg0: i32, %arg1: i32, %arg2: memref<204800xi32, #tpu.memory_space<hbm>>, %arg3: memref<2x100352xi32, #tpu.memory_space<hbm>>, %arg4: memref<100352xi32, #tpu.memory_space<vmem_shared>>, %arg5: memref<6400xi32, #tpu.memory_space<vmem>>, %arg6: memref<6400xi32, #tpu.memory_space<vmem>>, %arg7: memref<6272xi32, #tpu.memory_space<vmem>>) attributes {dimension_semantics = [#tpu.dimension_semantics<core_parallel>, #tpu.dimension_semantics<subcore_parallel>], iteration_bounds = array<i64: 2, 16>, scalar_prefetch = 0 : i64, scratch_operands = 4 : i64, tpu.core_type = #tpu.core_type<sc_vector_subcore>, window_params = [{transform_indices = #map}, {transform_indices = #map1}]} {
    %mul3A = arith.constant 16 : i32
    %mul3A_0 = arith.muli %arg0, %mul3A : i32
    %add3A = arith.addi %mul3A_0, %arg1 : i32
    %scan3A = arith.constant 0 : i32
    %scan3A_1 = arith.constant 392 : i32
    %scan3A_2 = arith.addi %scan3A, %scan3A_1 : i32
    %scan3A_3 = arith.constant 1 : i32
    scf.for %scan3A_19 = %scan3A to %scan3A_2 step %scan3A_3  : i32 {
      %mul3A_20 = arith.constant 1 : i32
      %mul3A_21 = arith.muli %scan3A_19, %mul3A_20 : i32
      %add3A_22 = arith.constant 0 : i32
      %add3A_23 = arith.addi %add3A_22, %mul3A_21 : i32
      %broadcast_in_dim3A = arith.constant 0 : i32
      %broadcast_in_dim3A_24 = vector.broadcast %broadcast_in_dim3A : i32 to vector<16xi32>
      %mul3A_25 = arith.constant 16 : i32
      %mul3A_26 = arith.muli %add3A_23, %mul3A_25 : i32
      %swap3A = arith.index_cast %mul3A_26 : i32 to index
      %swap3A_27 = tpu.vector_load %arg7[%swap3A] {strides = array<i32>} : memref<6272xi32, #tpu.memory_space<vmem>>, vector<16xi32>,
      %swap3A_28 = vector.shape_cast %swap3A_27 : vector<16xi32> to vector<16xi32>
      %swap3A_29 = vector.shape_cast %broadcast_in_dim3A_24 : vector<16xi32> to vector<16xi32>
      tpu.vector_store %arg7[%swap3A], %swap3A_29 {strides = array<i32>} : memref<6272xi32, #tpu.memory_space<vmem>>, vector<16xi32>,
    }
    %scan3A_4 = arith.constant 392 : i32
    %scan3A_5 = arith.constant 0 : i32
    %scan3A_6 = arith.constant 400 : i32
    %scan3A_7 = arith.addi %scan3A_5, %scan3A_6 : i32
    %scan3A_8 = arith.constant 1 : i32
    scf.for %scan3A_19 = %scan3A_5 to %scan3A_7 step %scan3A_8  : i32 {
      %mul3A_20 = arith.constant 1 : i32
      %mul3A_21 = arith.muli %scan3A_19, %mul3A_20 : i32
      %add3A_22 = arith.constant 0 : i32
      %add3A_23 = arith.addi %add3A_22, %mul3A_21 : i32
      %broadcast_in_dim3A = arith.constant 1 : i32
      %broadcast_in_dim3A_24 = vector.broadcast %broadcast_in_dim3A : i32 to vector<16xi32>
      %mul3A_25 = arith.constant 16 : i32
      %mul3A_26 = arith.muli %add3A_23, %mul3A_25 : i32
      %swap3A = arith.index_cast %mul3A_26 : i32 to index
      %swap3A_27 = tpu.vector_load %arg6[%swap3A] {strides = array<i32>} : memref<6400xi32, #tpu.memory_space<vmem>>, vector<16xi32>,
      %swap3A_28 = vector.shape_cast %swap3A_27 : vector<16xi32> to vector<16xi32>
      %swap3A_29 = vector.shape_cast %broadcast_in_dim3A_24 : vector<16xi32> to vector<16xi32>
      tpu.vector_store %arg6[%swap3A], %swap3A_29 {strides = array<i32>} : memref<6400xi32, #tpu.memory_space<vmem>>, vector<16xi32>,
    }
    %scan3A_9 = arith.constant 400 : i32
    %mul3A_10 = arith.constant 6272 : i32
    %mul3A_11 = arith.muli %arg1, %mul3A_10 : i32
    "tpu.region"() ({
      %run_scoped3A = tpu.sem_alloc : memref<!tpu.dma_semaphore, #tpu.memory_space<semaphore_mem>>
      %dma_start3A = tpu.memref_slice %arg4[%mul3A_11] : memref<100352xi32, #tpu.memory_space<vmem_shared>> -> memref<6272xi32, #tpu.memory_space<vmem_shared>>
      %dma_start3A_19 = tpu.memref_slice %arg4[%mul3A_11] : memref<100352xi32, #tpu.memory_space<vmem_shared>> -> memref<6272xi32, #tpu.memory_space<vmem_shared>>
      tpu.enqueue_dma source(%arg7 : memref<6272xi32, #tpu.memory_space<vmem>>) target(%dma_start3A_19 : memref<6272xi32, #tpu.memory_space<vmem_shared>>) target_semaphore(%run_scoped3A : memref<!tpu.dma_semaphore, #tpu.memory_space<semaphore_mem>>)
      %dma_wait3A = tpu.memref_slice %arg4[%mul3A_11] : memref<100352xi32, #tpu.memory_space<vmem_shared>> -> memref<6272xi32, #tpu.memory_space<vmem_shared>>
      %dma_wait3A_20 = tpu.memref_slice %arg4[%mul3A_11] : memref<100352xi32, #tpu.memory_space<vmem_shared>> -> memref<6272xi32, #tpu.memory_space<vmem_shared>>
      tpu.wait_dma2 semaphore(%run_scoped3A : memref<!tpu.dma_semaphore, #tpu.memory_space<semaphore_mem>>) src(%arg7 : memref<6272xi32, #tpu.memory_space<vmem>>) dst(%dma_wait3A_20 : memref<6272xi32, #tpu.memory_space<vmem_shared>>)
      tpu.yield
    }) : () -> ()
    %barrier3A = arith.constant 0 : index
    tpu.barrier barrier_id(%barrier3A)
    %mul3A_12 = arith.constant 6400 : i32
    %mul3A_13 = arith.muli %add3A, %mul3A_12 : i32
    "tpu.region"() ({
      %run_scoped3A = tpu.sem_alloc : memref<!tpu.dma_semaphore, #tpu.memory_space<semaphore_mem>>
      %dma_start3A = tpu.memref_slice %arg2[%mul3A_13] : memref<204800xi32, #tpu.memory_space<hbm>> -> memref<6400xi32, #tpu.memory_space<hbm>>
      %dma_start3A_19 = tpu.memref_slice %arg2[%mul3A_13] : memref<204800xi32, #tpu.memory_space<hbm>> -> memref<6400xi32, #tpu.memory_space<hbm>>
      tpu.enqueue_dma source(%dma_start3A_19 : memref<6400xi32, #tpu.memory_space<hbm>>) target(%arg5 : memref<6400xi32, #tpu.memory_space<vmem>>) target_semaphore(%run_scoped3A : memref<!tpu.dma_semaphore, #tpu.memory_space<semaphore_mem>>)
      %dma_wait3A = tpu.memref_slice %arg2[%mul3A_13] : memref<204800xi32, #tpu.memory_space<hbm>> -> memref<6400xi32, #tpu.memory_space<hbm>>
      %dma_wait3A_20 = tpu.memref_slice %arg2[%mul3A_13] : memref<204800xi32, #tpu.memory_space<hbm>> -> memref<6400xi32, #tpu.memory_space<hbm>>
      tpu.wait_dma2 semaphore(%run_scoped3A : memref<!tpu.dma_semaphore, #tpu.memory_space<semaphore_mem>>) src(%dma_wait3A_20 : memref<6400xi32, #tpu.memory_space<hbm>>) dst(%arg5 : memref<6400xi32, #tpu.memory_space<vmem>>)
      tpu.yield
    }) : () -> ()
    "tpu.region"() ({
      %run_scoped3A = tpu.sem_alloc : memref<!tpu.dma_semaphore, #tpu.memory_space<semaphore_mem>>
      %dma_start3A = arith.constant 0 : i32
      %dma_start3A_19 = tpu.memref_slice %arg4[%dma_start3A] : memref<100352xi32, #tpu.memory_space<vmem_shared>> -> memref<100352xi32, #tpu.memory_space<vmem_shared>>
      tpu.enqueue_indirect_dma source(%arg6 : memref<6400xi32, #tpu.memory_space<vmem>>) target(%dma_start3A_19 : memref<100352xi32, #tpu.memory_space<vmem_shared>>) offsets(%arg5 : memref<6400xi32, #tpu.memory_space<vmem>>) semaphore(%run_scoped3A : memref<!tpu.dma_semaphore, #tpu.memory_space<semaphore_mem>>) {add = true}
      %dma_wait3A = arith.constant 0 : i32
      %dma_wait3A_20 = tpu.memref_slice %arg4[%dma_wait3A] : memref<100352xi32, #tpu.memory_space<vmem_shared>> -> memref<100352xi32, #tpu.memory_space<vmem_shared>>
      tpu.wait_indirect_dma semaphore(%run_scoped3A : memref<!tpu.dma_semaphore, #tpu.memory_space<semaphore_mem>>) src(%arg6 : memref<6400xi32, #tpu.memory_space<vmem>>) dst(%dma_wait3A_20 : memref<100352xi32, #tpu.memory_space<vmem_shared>>)
      tpu.yield
    }) : () -> ()
    %barrier3A_14 = arith.constant 0 : index
    tpu.barrier barrier_id(%barrier3A_14)
    %mul3A_15 = arith.constant 6272 : i32
    %mul3A_16 = arith.muli %arg1, %mul3A_15 : i32
    %mul3A_17 = arith.constant 6272 : i32
    %mul3A_18 = arith.muli %arg1, %mul3A_17 : i32
    "tpu.region"() ({
      %run_scoped3A = tpu.sem_alloc : memref<!tpu.dma_semaphore, #tpu.memory_space<semaphore_mem>>
      %dma_start3A = tpu.memref_slice %arg3[%arg0, %mul3A_18] : memref<2x100352xi32, #tpu.memory_space<hbm>> -> memref<1x6272xi32, #tpu.memory_space<hbm>>
      %dma_start3A_19 = tpu.memref_squeeze %dma_start3A : memref<1x6272xi32, #tpu.memory_space<hbm>> -> memref<6272xi32, #tpu.memory_space<hbm>>
      %dma_start3A_20 = tpu.memref_slice %arg4[%mul3A_16] : memref<100352xi32, #tpu.memory_space<vmem_shared>> -> memref<6272xi32, #tpu.memory_space<vmem_shared>>
      tpu.enqueue_dma source(%dma_start3A_20 : memref<6272xi32, #tpu.memory_space<vmem_shared>>) target(%dma_start3A_19 : memref<6272xi32, #tpu.memory_space<hbm>>) target_semaphore(%run_scoped3A : memref<!tpu.dma_semaphore, #tpu.memory_space<semaphore_mem>>)
      %dma_wait3A = tpu.memref_slice %arg3[%arg0, %mul3A_18] : memref<2x100352xi32, #tpu.memory_space<hbm>> -> memref<1x6272xi32, #tpu.memory_space<hbm>>
      %dma_wait3A_21 = tpu.memref_squeeze %dma_wait3A : memref<1x6272xi32, #tpu.memory_space<hbm>> -> memref<6272xi32, #tpu.memory_space<hbm>>
      %dma_wait3A_22 = tpu.memref_slice %arg4[%mul3A_16] : memref<100352xi32, #tpu.memory_space<vmem_shared>> -> memref<6272xi32, #tpu.memory_space<vmem_shared>>
      tpu.wait_dma2 semaphore(%run_scoped3A : memref<!tpu.dma_semaphore, #tpu.memory_space<semaphore_mem>>) src(%dma_wait3A_22 : memref<6272xi32, #tpu.memory_space<vmem_shared>>) dst(%dma_wait3A_21 : memref<6272xi32, #tpu.memory_space<hbm>>)
      tpu.yield
    }) : () -> ()
    return
  }
}

module attributes {stable_mosaic.version = 14 : i64} {
  func.func @_k2_body(%arg0: memref<2x784x128xi32, #tpu.memory_space<vmem>>, %arg1: memref<784x128xi32, #tpu.memory_space<vmem>>) attributes {dimension_semantics = [], scalar_prefetch = 0 : i64, scratch_operands = 0 : i64, tpu.core_type = #tpu.core_type<tc>} {
    %get3A = arith.constant 0 : index
    %get3A_0 = arith.constant 0 : index
    %get3A_1 = arith.constant 0 : index
    %get3A_2 = vector.load %arg0[%get3A, %get3A_0, %get3A_1] : memref<2x784x128xi32, #tpu.memory_space<vmem>>, vector<1x784x128xi32>
    %get3A_3 = vector.shape_cast %get3A_2 : vector<1x784x128xi32> to vector<784x128xi32>
    %get3A_4 = arith.constant 1 : index
    %get3A_5 = arith.constant 0 : index
    %get3A_6 = arith.constant 0 : index
    %get3A_7 = vector.load %arg0[%get3A_4, %get3A_5, %get3A_6] : memref<2x784x128xi32, #tpu.memory_space<vmem>>, vector<1x784x128xi32>
    %get3A_8 = vector.shape_cast %get3A_7 : vector<1x784x128xi32> to vector<784x128xi32>
    %add3A = arith.addi %get3A_3, %get3A_8 : vector<784x128xi32>
    %gt3A = arith.constant 0 : i32
    %gt3A_9 = vector.broadcast %gt3A : i32 to vector<784x128xi32>
    %gt3A_10 = arith.cmpi sgt, %add3A, %gt3A_9 : vector<784x128xi32>
    %convert_element_type3A = arith.extui %gt3A_10 : vector<784x128xi1> to vector<784x128xi32>
    %convert_element_type3A_11 = arith.sitofp %convert_element_type3A : vector<784x128xi32> to vector<784x128xf32>
    %iota3A = tpu.iota {dimensions = array<i32: 0>} : vector<128x128xi32>
    %iota3A_12 = tpu.iota {dimensions = array<i32: 1>} : vector<128x128xi32>
    %le3A = arith.cmpi sle, %iota3A, %iota3A_12 : vector<128x128xi32>
    %convert_element_type3A_13 = arith.extui %le3A : vector<128x128xi1> to vector<128x128xi32>
    %convert_element_type3A_14 = arith.sitofp %convert_element_type3A_13 : vector<128x128xi32> to vector<128x128xf32>
    %dot_general3A = arith.constant dense<0.000000e+00> : vector<784x128xf32>
    %dot_general3A_15 = tpu.matmul %convert_element_type3A_11, %convert_element_type3A_14, %dot_general3A {dimension_numbers = #tpu.dot_dimension_numbers<[1], [0], [0], [1], [0, 0, 1, 1], [], []>, transpose_lhs_hint = false} : vector<784x128xf32>, vector<128x128xf32>, vector<784x128xf32> -> vector<784x128xf32>
    %slice3A = vector.extract_strided_slice %dot_general3A_15 {offsets = [0, 127], sizes = [784, 1], strides = [1, 1]} : vector<784x128xf32> to vector<784x1xf32>
    %iota3A_16 = tpu.iota {dimensions = array<i32: 0>} : vector<784x784xi32>
    %iota3A_17 = tpu.iota {dimensions = array<i32: 1>} : vector<784x784xi32>
    %lt3A = arith.cmpi slt, %iota3A_17, %iota3A_16 : vector<784x784xi32>
    %convert_element_type3A_18 = arith.extui %lt3A : vector<784x784xi1> to vector<784x784xi32>
    %convert_element_type3A_19 = arith.sitofp %convert_element_type3A_18 : vector<784x784xi32> to vector<784x784xf32>
    %dot_general3A_20 = arith.constant dense<0.000000e+00> : vector<784x1xf32>
    %dot_general3A_21 = tpu.matmul %convert_element_type3A_19, %slice3A, %dot_general3A_20 {dimension_numbers = #tpu.dot_dimension_numbers<[1], [0], [0], [1], [0, 0, 1, 1], [], []>, transpose_lhs_hint = false} : vector<784x784xf32>, vector<784x1xf32>, vector<784x1xf32> -> vector<784x1xf32>
    %add3A_22 = vector.broadcast %dot_general3A_21 : vector<784x1xf32> to vector<784x128xf32>
    %add3A_23 = arith.addf %add3A_22, %dot_general3A_15 : vector<784x128xf32>
    %sub3A = arith.subf %add3A_23, %convert_element_type3A_11 : vector<784x128xf32>
    %convert_element_type3A_24 = arith.fptosi %sub3A : vector<784x128xf32> to vector<784x128xi32>
    %swap3A = arith.constant 0 : index
    %swap3A_25 = arith.constant 0 : index
    %swap3A_26 = vector.load %arg1[%swap3A, %swap3A_25] : memref<784x128xi32, #tpu.memory_space<vmem>>, vector<784x128xi32>
    tpu.vector_store %arg1[%swap3A, %swap3A_25], %convert_element_type3A_24 {strides = array<i32>} : memref<784x128xi32, #tpu.memory_space<vmem>>, vector<784x128xi32>,
    return
  }
}

module attributes {stable_mosaic.version = 14 : i64} {
  func.func @_k4_body(%arg0: i32, %arg1: memref<3200x128xf32, #tpu.memory_space<vmem>>, %arg2: memref<50x64x128xf32, #tpu.memory_space<vmem>>) attributes {dimension_semantics = [#tpu.dimension_semantics<arbitrary>], iteration_bounds = array<i64: 32>, scalar_prefetch = 0 : i64, scratch_operands = 0 : i64, tpu.core_type = #tpu.core_type<tc>, window_params = [{transform_indices = @transform_0, window_bounds = array<i64: 3200, 128>}, {transform_indices = @transform_1, window_bounds = array<i64: 50, 64, 128>}]} {
    %get3A = arith.constant 0 : index
    %get3A_0 = arith.constant 0 : index
    %get3A_1 = vector.load %arg1[%get3A, %get3A_0] : memref<3200x128xf32, #tpu.memory_space<vmem>>, vector<3200x128xf32>
    %reshape3A = vector.shape_cast %get3A_1 : vector<3200x128xf32> to vector<128x25x128xf32>
    %slice3A = vector.extract_strided_slice %reshape3A {offsets = [0, 0, 0], sizes = [128, 25, 64], strides = [1, 1, 1]} : vector<128x25x128xf32> to vector<128x25x64xf32>
    %slice3A_2 = vector.extract_strided_slice %reshape3A {offsets = [0, 0, 64], sizes = [128, 25, 64], strides = [1, 1, 1]} : vector<128x25x128xf32> to vector<128x25x64xf32>
    %transpose3A = tpu.transpose %slice3A, [1, 2, 0] : vector<128x25x64xf32> -> vector<25x64x128xf32>
    %transpose3A_3 = tpu.transpose %slice3A_2, [1, 2, 0] : vector<128x25x64xf32> -> vector<25x64x128xf32>
    %stack3A = vector.shape_cast %transpose3A : vector<25x64x128xf32> to vector<25x1x64x128xf32>
    %stack3A_4 = vector.shape_cast %transpose3A_3 : vector<25x64x128xf32> to vector<25x1x64x128xf32>
    %stack3A_5 = tpu.concatenate %stack3A, %stack3A_4 in 1 : vector<25x1x64x128xf32>, vector<25x1x64x128xf32> -> vector<25x2x64x128xf32>
    %reshape3A_6 = vector.shape_cast %stack3A_5 : vector<25x2x64x128xf32> to vector<50x64x128xf32>
    %swap3A = arith.constant 0 : index
    %swap3A_7 = arith.constant 0 : index
    %swap3A_8 = arith.constant 0 : index
    %swap3A_9 = vector.load %arg2[%swap3A, %swap3A_7, %swap3A_8] : memref<50x64x128xf32, #tpu.memory_space<vmem>>, vector<50x64x128xf32>
    tpu.vector_store %arg2[%swap3A, %swap3A_7, %swap3A_8], %reshape3A_6 {strides = array<i32>} : memref<50x64x128xf32, #tpu.memory_space<vmem>>, vector<50x64x128xf32>,
    return
  }
  func.func @transform_0(%arg0: i32) -> (i32, i32) {
    %c0_i32 = arith.constant 0 : i32
    %c0_i32_0 = arith.constant 0 : i32
    return %arg0, %c0_i32 : i32, i32
  }
  func.func @transform_1(%arg0: i32) -> (i32, i32, i32) {
    %c0_i32 = arith.constant 0 : i32
    %c0_i32_0 = arith.constant 0 : i32
    %c0_i32_1 = arith.constant 0 : i32
    return %c0_i32, %c0_i32_0, %arg0 : i32, i32, i32
  }
}

</mosaic_0001>

<sc_bundles>
// kernel: kernel.6.cloned.1.call-start
scs
__scs_entry_jumppad:
0x0: {  	(pc) =	sbr.rel $0x88, $3  }
0x1: {  	(tag) =	ssettag $0x0;
	lr =	simm.s32 $0x1  }
0x2: {  	[smem:$0x3F9F] =	sst lr;
	_ =	strace $0xD0000000  }
0x3: {  	_ = 	snop  }
0x4: {  	_ = 	snop  }
0x5: {  	_ = 	snop  }
0x6: {  	_ = 	snop  }
0x7: {  	_ = 	snop  }
__scs_overlays_trampoline_lowered:
0x8: {  	[smem:$0x3FAE] =	sst s0  }
0x9: {  	[smem:$0x3FAF] =	sst s1  }
0xa: {  	[smem:$0x3FB0] =	sst s2  }
0xb: {  	[smem:$0x3FB1] =	sst s3  }
0xc: {  	[smem:$0x3FB2] =	sst s4  }
0xd: {  	[smem:$0x3FB3] =	sst s5  }
0xe: {  	[smem:$0x3FB4] =	sst s6  }
0xf: {  	[smem:$0x3FB5] =	sst s7  }
0x10: {  	[smem:$0x3FB6] =	sst s8  }
0x11: {  	[smem:$0x3FB7] =	sst s9;
	s0 =	simm.s32 @!p0 $0x0  }
0x12: {  	s1 =	sld [smem:$0x3F9D];
	s0 =	simm.s32 @p0 $0x1  }
0x13: {  	[smem:$0x3FB8] =	sst s0;
	s0 =	simm.s32 @!p1 $0x0  }
0x14: {  	s2 =	sld [smem:$0x3F9C];
	s0 =	simm.s32 @p1 $0x1  }
0x15: {  	[smem:$0x3FB9] =	sst s0;
	s0 =	simm.s32 @!p2 $0x0  }
0x16: {  	s3 =	sld [smem:$0x3FDB];
	s0 =	simm.s32 @p2 $0x1  }
0x17: {  	s4 =	simm.s32 $0x1BF5;
	[smem:$0x3FBB] =	sst s0  }
0x18: {  	s0 =	sld [smem:$0x3F9E];
	_ =	swait.ge [sflag:s4], $0x0  }
0x19: {  	s7 =	sld [smem:$0x3F9F]  }
0x1a: {  	s8 =	sadd.s32 $0xFFFFE003, lr  }
0x1b: {  	s9 =	sadd.s32 $0xFFFFFEF7, lr;
	s5 =	simm.s32 $0xFFFFFFFF;
	p2 =	slt.u32 s8, $0xFFFFF086  }
0x1c: {  	p1 =	slt.u32 s9, $0xF7A;
	s5 =	simm.s32 @!p2 $0x0  }
0x1d: {  	s5 =	simm.s32 @p1 $0x1;
	p0 =	seq.s32 s7, s2  }
0x1e: {  	s7 =	smul.u32 @!p0 $0xF7A, s2;
	p2 =	seq.s32 @!p0 s5, $0x0  }
0x1f: {  	s9 =	smul.u32 $0xF7A, s1;
	s8 =	simm.s32 @!p0 $0x1BF5;
	p2 =	por !p2, p0  }
0x20: {  	[sflag:s8] =	ssyncset.s32 @!p0 $0xFFFFF086;
	s6 =	sadd.s32 @!p0 s3, s7;
	s7 =	simm.s32 @!p0 $0x108  }
0x21: {  	s3 =	sadd.s32 s3, s9;
	s6 =	sadd.s32 @!p0 $0x88, s6;
	s7 =	simm.s32 @p2 $0x1082  }
0x22: {  	[simem:s7], [sflag:s8] =	dma.local @!p0 [hbm:s6], $0xF7A  }
0x23: {  	s9 =	sor.u32 $0xD0000000, s2;
	s6 =	simm.s32 $0x108;
	_ =	swait.ge @!p0 [sflag:s8], $0x0  }
0x24: {  	s3 =	sadd.s32 $0x88, s3;
	s6 =	simm.s32 @!p1 $0x1082;
	[sflag:s4] =	ssyncset.s32 $0xFFFFF086  }
0x25: {  	[simem:s6], [sflag:s4] =	dma.local [hbm:s3], $0xF7A  }
0x26: {  	[smem:$0x3F9F] =	sst s1;
	(tag) =	ssettag s2;
	_ =	strace s9  }
0x27: {  	s1 =	sld [smem:$0x3FAF]  }
0x28: {  	s2 =	sld [smem:$0x3FB0]  }
0x29: {  	s4 =	sld [smem:$0x3FB2]  }
0x2a: {  	p0 =	seq.s32 s5, $0x0;
	s5 =	sld [smem:$0x3FB3]  }
0x2b: {  	s6 =	sld [smem:$0x3FB4]  }
0x2c: {  	s7 =	sld [smem:$0x3FB5]  }
0x2d: {  	s3 =	simm.s32 $0x108;
	s8 =	sld [smem:$0x3FB6]  }
0x2e: {  	s3 =	simm.s32 @!p0 $0x1082;
	s9 =	sld [smem:$0x3FB7]  }
0x2f: {  	lr =	sadd.s32 s0, s3;
	s0 =	sld [smem:$0x3FAE]  }
0x30: {  	s3 =	sld [smem:$0x3FB1]  }
0x31: {  	[smem:$0x3FBA] =	sst s10  }
0x32: {  	s10 =	sld [smem:$0x3FB8];
	_ =	sdelay $0x3  }
0x33: {  	p0 =	seq.s32 s10, $0x1;
	s10 =	sld [smem:$0x3FBA];
	_ =	sdelay $0x3  }
0x34: {  	[smem:$0x3FBA] =	sst s10  }
0x35: {  	s10 =	sld [smem:$0x3FB9];
	_ =	sdelay $0x3  }
0x36: {  	p1 =	seq.s32 s10, $0x1;
	s10 =	sld [smem:$0x3FBA];
	_ =	sdelay $0x3  }
0x37: {  	[smem:$0x3FBA] =	sst s10  }
0x38: {  	s10 =	sld [smem:$0x3FBB]  }
0x39: {  	_ = 	snop;
	(pc) =	sbr.ind lr, $3  }
0x3a: {  	_ = 	snop  }
0x3b: {  	_ = 	snop  }
0x3c: {  	p2 =	seq.s32 s10, $0x1;
	s10 =	sld [smem:$0x3FBA]  }
0x3d: {  	_ =	shalt  }
0x3e: {  	_ =	shalt  }
0x3f: {  	_ =	shalt  }
0x40: {  	_ =	shalt  }
0x41: {  	_ =	shalt  }
0x42: {  	_ =	shalt  }
0x43: {  	_ =	shalt  }
0x44: {  	_ =	shalt  }
0x45: {  	_ =	shalt  }
0x46: {  	_ =	shalt  }
0x47: {  	_ =	shalt  }
0x48: {  	_ =	shalt  }
0x49: {  	_ =	shalt  }
0x4a: {  	_ =	shalt  }
0x4b: {  	_ =	shalt  }
0x4c: {  	_ =	shalt  }
0x4d: {  	_ =	shalt  }
0x4e: {  	_ =	shalt  }
0x4f: {  	_ =	shalt  }
0x50: {  	_ =	shalt  }
0x51: {  	_ =	shalt  }
0x52: {  	_ =	shalt  }
0x53: {  	_ =	shalt  }
0x54: {  	_ =	shalt  }
0x55: {  	_ =	shalt  }
0x56: {  	_ =	shalt  }
0x57: {  	_ =	shalt  }
0x58: {  	_ =	shalt  }
0x59: {  	_ =	shalt  }
0x5a: {  	_ =	shalt  }
0x5b: {  	_ =	shalt  }
0x5c: {  	_ =	shalt  }
0x5d: {  	_ =	shalt  }
0x5e: {  	_ =	shalt  }
0x5f: {  	_ =	shalt  }
0x60: {  	_ =	shalt  }
0x61: {  	_ =	shalt  }
0x62: {  	_ =	shalt  }
0x63: {  	_ =	shalt  }
0x64: {  	_ =	shalt  }
0x65: {  	_ =	shalt  }
0x66: {  	_ =	shalt  }
0x67: {  	_ =	shalt  }
0x68: {  	_ =	shalt  }
0x69: {  	_ =	shalt  }
0x6a: {  	_ =	shalt  }
0x6b: {  	_ =	shalt  }
0x6c: {  	_ =	shalt  }
0x6d: {  	_ =	shalt  }
0x6e: {  	_ =	shalt  }
0x6f: {  	_ =	shalt  }
0x70: {  	_ =	shalt  }
0x71: {  	_ =	shalt  }
0x72: {  	_ =	shalt  }
0x73: {  	_ =	shalt  }
0x74: {  	_ =	shalt  }
0x75: {  	_ =	shalt  }
0x76: {  	_ =	shalt  }
0x77: {  	_ =	shalt  }
0x78: {  	_ =	shalt  }
0x79: {  	_ =	shalt  }
0x7a: {  	_ =	shalt  }
0x7b: {  	_ =	shalt  }
0x7c: {  	_ =	shalt  }
0x7d: {  	_ =	shalt  }
0x7e: {  	_ =	shalt  }
0x7f: {  	_ =	shalt  }
0x80: {  	_ =	shalt  }
0x81: {  	_ =	shalt  }
0x82: {  	_ =	shalt  }
0x83: {  	_ =	shalt  }
0x84: {  	_ =	shalt  }
0x85: {  	_ =	shalt  }
0x86: {  	_ =	shalt  }
0x87: {  	_ =	shalt  }
.Lfunc_end0:
.L_simem_size_0:
called_computation_lowered:
.L_overlay_start_0:
0x88: {  	s2 =	sld [smem:$0x3FD9]  }
0x89: {  	s3 =	sld [smem:$0x3FFE];
	_ =	sdelay $0x1  }
0x8a: {  	s1 =	srdreg.scid  }
0x8b: {  	s0 =	sand.u32 $0x1, s1  }
0x8c: {  	s16 =	sshll.u32 s0, $0xA;
	s2 =	sadd.s32 s3, s2  }
0x8d: {  	s2 =	sadd.s32 s2, s16  }
0x8e: {  	[smem:$0x3FC6] =	sst s2  }
0x8f: {  	_ = 	snop  }
0x90: {  	(tm) =	ssettm $0x1  }
0x91: {  	s17 =	sld [smem:$0x3FFB];
	_ =	sdelay $0x3  }
0x92: {  	_ =	strace s17  }
0x93: {  	s2 =	sld [smem:$0x3FFC];
	_ =	sdelay $0x3  }
0x94: {  	_ =	strace s2  }
0x95: {  	s2 =	sld [smem:$0x3FFD];
	_ =	sdelay $0x3  }
0x96: {  	_ =	strace s2  }
0x97: {  	_ =	strace $0x8FFFFFFF  }
0x98: {  	s18 =	sld [smem:$0x3FDB];
	_ =	sdelay $0x1  }
0x99: {  	s19 =	simm.s32 $_scs_section_size  }
0x9a: {  	s4 =	simm.s32 $_size__tile_overlayer_lowered;
	s5 =	simm.s32 $_tile_overlayer_lowered  }
0x9b: {  	s22 =	simm.s32 $0x1BFF;
	s21 =	sshll.u32 s5, $0x1;
	s2 =	sadd.s32 s19, s18  }
0x9c: {  	s6 =	simm.s32 $0x0;
	s20 =	sshll.u32 s4, $0x1;
	s4 =	sadd.s32 s21, s2  }
0x9d: {  	[timem:s6], [sflag:s22] =	dma.local [hbm:s4], s20  }
0x9e: {  	_ =	swait.ge [sflag:s22], s20  }
0x9f: {  	s3 =	ssub.s32 $0x0, s20;
	[sflag:s22] =	ssyncset.done $0x0  }
0xa0: {  	[sflag:s22] =	ssyncadd.s32 s3;
	_ =	sdelay $0x1  }
0xa1: {  	s23 =	simm.s32 $0x1B8B  }
0xa2: {  	_ =	swait.ge [sflag:s23], $0x1  }
0xa3: {  	[sflag:s23] =	ssyncset.done $0x0  }
0xa4: {  	s25 =	simm.s32 $0x1B8E;
	s24 =	sld [smem:$0x3FFE];
	[sflag:s23] =	ssyncadd.s32 $0xFFFFFFFF  }
0xa5: {  	s26 =	simm.s32 $execute0_lowered;
	[smem:$0x3FD2] =	sst s25  }
0xa6: {  	s4 =	sshll.u32 s26, $0x1;
	_ =	strace $0x80000046;
	[dreg:$0x1] =	wrdreg $0xFFFFFFFF  }
0xa7: {  	s28 =	simm.s32 $_size_execute0_lowered;
	s2 =	sadd.s32 s2, s4;
	[dreg:$0x0] =	wrdreg $0x0  }
0xa8: {  	s4 =	sshll.u32 s28, $0x1;
	[dreg:$0x2] =	wrdreg s2  }
0xa9: {  	[dreg:$0x3] =	wrdreg s4  }
0xaa: {  	[dreg:$0x4] =	wrdreg $0xC0  }
0xab: {  	_ =	task [dreg:s6], $0x5FFFF  }
0xac: {  	[dreg:$0x1] =	wrdreg $0xFFFFFFFF  }
0xad: {  	[dreg:$0x0] =	wrdreg $0x60  }
0xae: {  	[dreg:$0x2] =	wrdreg s24  }
0xaf: {  	[dreg:$0x3] =	wrdreg $0x0  }
0xb0: {  	[dreg:$0x4] =	wrdreg $0x9  }
0xb1: {  	_ =	task.clear_ibuf [dreg:s6], $0x5FFFF;
	_ =	strace $0x90000046  }
0xb2: {  	s29 =	simm.s32 $0x9;
	_ =	strace $0x80000048  }
0xb3: {  	_ =	swait.ge [sflag:s29], $0x1  }
0xb4: {  	[sflag:s29] =	ssyncadd.s32 $0xFFFFFFFF  }
0xb5: {  	_ =	strace $0x90000048  }
0xb6: {  	_ =	sfence  }
0xb7: {  	s30 =	sld [smem:$0x0];
	_ =	sdelay $0x2  }
0xb8: {  	s31 =	sshll.u32 s1, $0xD;
	s1 =	sshrl.u32 s1, $0x2  }
0xb9: {  	s3 =	sand.u32 $0x4000, s31;
	s1 =	sadd.s32 s1, s30  }
0xba: {  	s0 =	sor.u32 s3, s0;
	s1 =	sshll.u32 s1, $0x11  }
0xbb: {  	s0 =	sor.u32 s1, s0  }
0xbc: {  	s0 =	sadd.s32 $0x8F2B, s0  }
0xbd: {  	[sflag:s0] =	ssyncadd.remote.s32 $0x1  }
0xbe: {  	_ =	sfence.sel $0xFFFF  }
0xbf: {  	[dreg:$0x0] =	wrdreg $0xFFFFFFFF;
	(pc) =	sbr.abs _section_cstart, $3  }
0xc0: {  	[dreg:$0x1] =	wrdreg $0xFFFFFFFF  }
0xc1: {  	_ =	task.clear_ibuf [dreg:s6], $0x2FFFF;
	_ =	strace $0x9FFFFFFF  }
0xc2: {  	(tm) =	ssettm $0x7FFFFFFF  }
0xc3: {  	_ =	shalt  }
tec
execute0_lowered:
.L_overlay_start_1:
0x0: {  	(tag) =	ssettag $0x1  }
0x1: {  	s4 =	rddreg [dreg:$0x0];
	s0 =	srdreg.scid  }
0x2: {  	s2 =	rddreg [dreg:$0x1];
	s1 =	stileid.u32  }
0x3: {  	s3 =	simm.s32 $0x0;
	s10 =	simm.s32 $0x1880;
	s11 =	simm.s32 $0x1900  }
0x4: {  	s12 =	simm.s32 $0x3180;
	s5 =	sand.u32 $0x1, s0;
	s0 =	rddreg [dreg:$0x2]  }
0x5: {  	s15 =	simm.s32 $0x0;
	s7 =	smul.u32 $0x1880, s1;
	[smem:$0x7FF] =	sst s3  }
0x6: {  	s13 =	sshll.u32 s1, $0x6;
	s6 =	sshll.u32 s5, $0x4;
	s8 =	smul.u32 $0x18800, s5  }
0x7: {  	_ =	strace $0x80000047;
	s5 =	ssub.s32 $0x2, s5;
	s6 =	sor.u32 s1, s6  }
0x8: {  	s9 =	sshrl.u32 s5, $0x1;
	s6 =	smul.u32 $0x320, s6;
	s8 =	sadd.s32 s7, s8  }
0x9: {  	s13 =	sor.u32 $0x1C01, s13;
	s9 =	ssub.s32 s5, s9;
	s8 =	sshrl.u32 s8, $0x3  }
0xa: {  	s6 =	sadd.s32 s6, s4;
	s8 =	sadd.s32 s8, s4;
	s4 =	sadd.s32 s7, s2  }
0xb: {  	s7 =	smax.u32 s9, $0x1;
	s9 =	simm.s32 $0x1;
	s5 =	sadd.s32 $0xC00, s6  }
0xc: {  	v0 =	vimm.s32 $0x0;
	v1 =	vimm.s32 $0x1;
	s6 =	sadd.s32 $0x7000, s8;
	s8 =	simm.s32 $0x4A80;
	s14 =	sshrl.u32 s4, $0x3  }
.LBB2_1:
0xd: {  	s16 =	simm.s32 $0x0  }
.LBB2_2:
0xe: {  	p0 =	sne.s32 s16, $0x61C0  }
.Ltmp0:
0xf: {  	_ = 	snop;
	(pc) =	sbr.rel @p0 .LBB2_2-.Ltmp0, $3  }
0x10: {  	_ =	sdelay $0x1  }
0x11: {  	s17 =	sshra.s32 s16, $0x2  }
0x12: {  	s16 =	sadd.s32 $0x40, s16;
	[tilespmem:s17+$0x4A80] =	vst v0  }
0x13: {  	s16 =	simm.s32 $0x40;
	s17 =	simm.s32 $0x0  }
.LBB2_4:
0x14: {  	p0 =	sne.s32 s16, $0x63C0;
	[tilespmem:s17+$0x3180] =	vst v1;
	s17 =	smov.u32 s16;
	s16 =	sadd.s32 $0x40, s16  }
.Ltmp1:
0x15: {  	(pc) =	sbr.rel @p0 .LBB2_4-.Ltmp1, $2  }
0x16: {  	_ =	sdelay $0x2  }
0x17: {  	s17 =	sshra.s32 s17, $0x2  }
0x18: {  	[tilespmem:s17+$0x3180] =	vst v1  }
0x19: {  	[spmem:s4] =	stream.linear.scatter [tilespmem:s8], [sflag:$0x1], $0x1880, $0x38;
	[tilespmem:$0x6300] =	vst v63  }
0x1a: {  	_ =	swait.ge [sflag:s9], $0x1880  }
0x1b: {  	[sflag:s9] =	ssyncset.done $0x0  }
0x1c: {  	[sflag:s9] =	ssyncadd.s32 $0xFFFFE780  }
0x1d: {  	[bflag:$0x0] =	sbarrier.arrive $0xFFFF  }
0x1e: {  	[tilespmem:s10], [sflag:$0x1] =	stream.linear.gather [hbm4b:s5+s3], $0x1900, $0x38;
	[tilespmem:$0x6300] =	vst v63  }
0x1f: {  	_ =	swait.ge [sflag:s9], $0x1900  }
0x20: {  	[sflag:s9] =	ssyncset.done $0x0  }
0x21: {  	[sflag:s9] =	ssyncadd.s32 $0xFFFFE700  }
0x22: {  	[spmem:s2] =	stream.indirect.scatter.add.s32 [tilespmem:s12], [sflag:$0x1], $0x1, s10, s11, $0xb8;
	[tilespmem:$0x6300] =	vst v63  }
0x23: {  	_ =	swait.ge [sflag:s9], $0x1900  }
0x24: {  	s15 =	sadd.s32 $0x1, s15;
	[sflag:s9] =	ssyncset.done $0x0  }
0x25: {  	p0 =	sne.s32 s15, s7;
	[sflag:s9] =	ssyncadd.s32 $0xFFFFE700  }
.Ltmp2:
0x26: {  	[bflag:$0x0] =	sbarrier.arrive $0xFFFF;
	(pc) =	sbr.rel @p0 .LBB2_1-.Ltmp2, $4  }
0x27: {  	[hbm:s6], [sflag:s13] =	dma.local [spmem:s14], $0x310  }
0x28: {  	_ =	swait.ge [sflag:s9], $0x310  }
0x29: {  	[sflag:s9] =	ssyncset.done $0x0  }
0x2a: {  	[sflag:s9] =	ssyncadd.s32 $0xFFFFFCF0  }
0x2b: {  	_ =	sfence.sel $0x180000  }
0x2c: {  	[bflag:$0x0] =	sbarrier.arrive $0xFFFF  }
0x2d: {  	p0 =	sne.s32 s1, $0x0;
	_ =	strace $0x90000047  }
0x2e: {  	s0 =	sadd.s32 @!p0 $0x100000, s0;
	[bflag:$0x2] =	sbarrier.arrive $0xFFFF  }
0x2f: {  	[sflag:s0] =	ssyncadd.tile.s32 @!p0 $0x1;
	_ =	shalt  }
.Lfunc_end2:
_tile_overlayer_lowered:
.L_overlay_start_2:
0x30: {  	(tag) =	ssettag $0x2  }
0x31: {  	s0 =	rddreg [dreg:$0x0];
	s2 =	stileid.u32  }
0x32: {  	s1 =	rddreg [dreg:$0x1];
	p0 =	sne.s32 s2, $0x0  }
0x33: {  	s3 =	rddreg [dreg:$0x2];
	[bflag:$0x3] =	sbarrier.arrive $0xFFFF;
	s2 =	simm.s32 @!p0 $0x1C01  }
0x34: {  	[timem:s3], [sflag:s2] =	dma.local @!p0 [hbm:s0], s1  }
0x35: {  	s0 =	simm.s32 @!p0 $0x1  }
0x36: {  	_ =	swait.ge @!p0 [sflag:s0], s1  }
0x37: {  	s1 =	ssub.s32 @!p0 $0x0, s1;
	[sflag:s0] =	ssyncset.done @!p0 $0x0  }
0x38: {  	[sflag:s0] =	ssyncadd.s32 @!p0 s1  }
0x39: {  	[bflag:$0x3] =	sbarrier.arrive $0xFFFF  }
0x3a: {  	_ =	shalt  }

// kernel: kernel.9.cloned.1.call-start
scs
__scs_entry_jumppad:
0x0: {  	(pc) =	sbr.rel $0x88, $3  }
0x1: {  	(tag) =	ssettag $0x0;
	lr =	simm.s32 $0x1  }
0x2: {  	[smem:$0x3F9F] =	sst lr;
	_ =	strace $0xD0000000  }
0x3: {  	_ = 	snop  }
0x4: {  	_ = 	snop  }
0x5: {  	_ = 	snop  }
0x6: {  	_ = 	snop  }
0x7: {  	_ = 	snop  }
__scs_overlays_trampoline_lowered:
0x8: {  	[smem:$0x3FAE] =	sst s0  }
0x9: {  	[smem:$0x3FAF] =	sst s1  }
0xa: {  	[smem:$0x3FB0] =	sst s2  }
0xb: {  	[smem:$0x3FB1] =	sst s3  }
0xc: {  	[smem:$0x3FB2] =	sst s4  }
0xd: {  	[smem:$0x3FB3] =	sst s5  }
0xe: {  	[smem:$0x3FB4] =	sst s6  }
0xf: {  	[smem:$0x3FB5] =	sst s7  }
0x10: {  	[smem:$0x3FB6] =	sst s8  }
0x11: {  	[smem:$0x3FB7] =	sst s9;
	s0 =	simm.s32 @!p0 $0x0  }
0x12: {  	s1 =	sld [smem:$0x3F9D];
	s0 =	simm.s32 @p0 $0x1  }
0x13: {  	[smem:$0x3FB8] =	sst s0;
	s0 =	simm.s32 @!p1 $0x0  }
0x14: {  	s2 =	sld [smem:$0x3F9C];
	s0 =	simm.s32 @p1 $0x1  }
0x15: {  	[smem:$0x3FB9] =	sst s0;
	s0 =	simm.s32 @!p2 $0x0  }
0x16: {  	s3 =	sld [smem:$0x3FDB];
	s0 =	simm.s32 @p2 $0x1  }
0x17: {  	s4 =	simm.s32 $0x1BF5;
	[smem:$0x3FBB] =	sst s0  }
0x18: {  	s0 =	sld [smem:$0x3F9E];
	_ =	swait.ge [sflag:s4], $0x0  }
0x19: {  	s7 =	sld [smem:$0x3F9F]  }
0x1a: {  	s8 =	sadd.s32 $0xFFFFE003, lr  }
0x1b: {  	s9 =	sadd.s32 $0xFFFFFEF7, lr;
	s5 =	simm.s32 $0xFFFFFFFF;
	p2 =	slt.u32 s8, $0xFFFFF086  }
0x1c: {  	p1 =	slt.u32 s9, $0xF7A;
	s5 =	simm.s32 @!p2 $0x0  }
0x1d: {  	s5 =	simm.s32 @p1 $0x1;
	p0 =	seq.s32 s7, s2  }
0x1e: {  	s7 =	smul.u32 @!p0 $0xF7A, s2;
	p2 =	seq.s32 @!p0 s5, $0x0  }
0x1f: {  	s9 =	smul.u32 $0xF7A, s1;
	s8 =	simm.s32 @!p0 $0x1BF5;
	p2 =	por !p2, p0  }
0x20: {  	[sflag:s8] =	ssyncset.s32 @!p0 $0xFFFFF086;
	s6 =	sadd.s32 @!p0 s3, s7;
	s7 =	simm.s32 @!p0 $0x108  }
0x21: {  	s3 =	sadd.s32 s3, s9;
	s6 =	sadd.s32 @!p0 $0x88, s6;
	s7 =	simm.s32 @p2 $0x1082  }
0x22: {  	[simem:s7], [sflag:s8] =	dma.local @!p0 [hbm:s6], $0xF7A  }
0x23: {  	s9 =	sor.u32 $0xD0000000, s2;
	s6 =	simm.s32 $0x108;
	_ =	swait.ge @!p0 [sflag:s8], $0x0  }
0x24: {  	s3 =	sadd.s32 $0x88, s3;
	s6 =	simm.s32 @!p1 $0x1082;
	[sflag:s4] =	ssyncset.s32 $0xFFFFF086  }
0x25: {  	[simem:s6], [sflag:s4] =	dma.local [hbm:s3], $0xF7A  }
0x26: {  	[smem:$0x3F9F] =	sst s1;
	(tag) =	ssettag s2;
	_ =	strace s9  }
0x27: {  	s1 =	sld [smem:$0x3FAF]  }
0x28: {  	s2 =	sld [smem:$0x3FB0]  }
0x29: {  	s4 =	sld [smem:$0x3FB2]  }
0x2a: {  	p0 =	seq.s32 s5, $0x0;
	s5 =	sld [smem:$0x3FB3]  }
0x2b: {  	s6 =	sld [smem:$0x3FB4]  }
0x2c: {  	s7 =	sld [smem:$0x3FB5]  }
0x2d: {  	s3 =	simm.s32 $0x108;
	s8 =	sld [smem:$0x3FB6]  }
0x2e: {  	s3 =	simm.s32 @!p0 $0x1082;
	s9 =	sld [smem:$0x3FB7]  }
0x2f: {  	lr =	sadd.s32 s0, s3;
	s0 =	sld [smem:$0x3FAE]  }
0x30: {  	s3 =	sld [smem:$0x3FB1]  }
0x31: {  	[smem:$0x3FBA] =	sst s10  }
0x32: {  	s10 =	sld [smem:$0x3FB8];
	_ =	sdelay $0x3  }
0x33: {  	p0 =	seq.s32 s10, $0x1;
	s10 =	sld [smem:$0x3FBA];
	_ =	sdelay $0x3  }
0x34: {  	[smem:$0x3FBA] =	sst s10  }
0x35: {  	s10 =	sld [smem:$0x3FB9];
	_ =	sdelay $0x3  }
0x36: {  	p1 =	seq.s32 s10, $0x1;
	s10 =	sld [smem:$0x3FBA];
	_ =	sdelay $0x3  }
0x37: {  	[smem:$0x3FBA] =	sst s10  }
0x38: {  	s10 =	sld [smem:$0x3FBB]  }
0x39: {  	_ = 	snop;
	(pc) =	sbr.ind lr, $3  }
0x3a: {  	_ = 	snop  }
0x3b: {  	_ = 	snop  }
0x3c: {  	p2 =	seq.s32 s10, $0x1;
	s10 =	sld [smem:$0x3FBA]  }
0x3d: {  	_ =	shalt  }
0x3e: {  	_ =	shalt  }
0x3f: {  	_ =	shalt  }
0x40: {  	_ =	shalt  }
0x41: {  	_ =	shalt  }
0x42: {  	_ =	shalt  }
0x43: {  	_ =	shalt  }
0x44: {  	_ =	shalt  }
0x45: {  	_ =	shalt  }
0x46: {  	_ =	shalt  }
0x47: {  	_ =	shalt  }
0x48: {  	_ =	shalt  }
0x49: {  	_ =	shalt  }
0x4a: {  	_ =	shalt  }
0x4b: {  	_ =	shalt  }
0x4c: {  	_ =	shalt  }
0x4d: {  	_ =	shalt  }
0x4e: {  	_ =	shalt  }
0x4f: {  	_ =	shalt  }
0x50: {  	_ =	shalt  }
0x51: {  	_ =	shalt  }
0x52: {  	_ =	shalt  }
0x53: {  	_ =	shalt  }
0x54: {  	_ =	shalt  }
0x55: {  	_ =	shalt  }
0x56: {  	_ =	shalt  }
0x57: {  	_ =	shalt  }
0x58: {  	_ =	shalt  }
0x59: {  	_ =	shalt  }
0x5a: {  	_ =	shalt  }
0x5b: {  	_ =	shalt  }
0x5c: {  	_ =	shalt  }
0x5d: {  	_ =	shalt  }
0x5e: {  	_ =	shalt  }
0x5f: {  	_ =	shalt  }
0x60: {  	_ =	shalt  }
0x61: {  	_ =	shalt  }
0x62: {  	_ =	shalt  }
0x63: {  	_ =	shalt  }
0x64: {  	_ =	shalt  }
0x65: {  	_ =	shalt  }
0x66: {  	_ =	shalt  }
0x67: {  	_ =	shalt  }
0x68: {  	_ =	shalt  }
0x69: {  	_ =	shalt  }
0x6a: {  	_ =	shalt  }
0x6b: {  	_ =	shalt  }
0x6c: {  	_ =	shalt  }
0x6d: {  	_ =	shalt  }
0x6e: {  	_ =	shalt  }
0x6f: {  	_ =	shalt  }
0x70: {  	_ =	shalt  }
0x71: {  	_ =	shalt  }
0x72: {  	_ =	shalt  }
0x73: {  	_ =	shalt  }
0x74: {  	_ =	shalt  }
0x75: {  	_ =	shalt  }
0x76: {  	_ =	shalt  }
0x77: {  	_ =	shalt  }
0x78: {  	_ =	shalt  }
0x79: {  	_ =	shalt  }
0x7a: {  	_ =	shalt  }
0x7b: {  	_ =	shalt  }
0x7c: {  	_ =	shalt  }
0x7d: {  	_ =	shalt  }
0x7e: {  	_ =	shalt  }
0x7f: {  	_ =	shalt  }
0x80: {  	_ =	shalt  }
0x81: {  	_ =	shalt  }
0x82: {  	_ =	shalt  }
0x83: {  	_ =	shalt  }
0x84: {  	_ =	shalt  }
0x85: {  	_ =	shalt  }
0x86: {  	_ =	shalt  }
0x87: {  	_ =	shalt  }
.Lfunc_end0:
.L_simem_size_0:
called_computation.1_lowered:
.L_overlay_start_0:
0x88: {  	s2 =	sld [smem:$0x3FD9]  }
0x89: {  	s3 =	sld [smem:$0x3FFE];
	_ =	sdelay $0x1  }
0x8a: {  	s1 =	srdreg.scid  }
0x8b: {  	s0 =	sand.u32 $0x1, s1  }
0x8c: {  	s17 =	sshll.u32 s0, $0xA;
	s2 =	sadd.s32 s3, s2  }
0x8d: {  	s2 =	sadd.s32 s2, s17  }
0x8e: {  	[smem:$0x3FC6] =	sst s2  }
0x8f: {  	_ = 	snop  }
0x90: {  	s2 =	sld [smem:$0x3FD0];
	(tm) =	ssettm $0x1  }
0x91: {  	s18 =	sld [smem:$0x3FFB];
	_ =	sdelay $0x3  }
0x92: {  	_ =	strace s18  }
0x93: {  	s3 =	sld [smem:$0x3FFC];
	_ =	sdelay $0x3  }
0x94: {  	_ =	strace s3  }
0x95: {  	s3 =	sld [smem:$0x3FFD];
	_ =	sdelay $0x3  }
0x96: {  	_ =	strace s3  }
0x97: {  	_ =	strace $0x8FFFFFFF  }
0x98: {  	s19 =	sld [smem:$0x3FDB];
	_ =	sdelay $0x1  }
0x99: {  	s4 =	simm.s32 $_scs_section_size  }
0x9a: {  	s5 =	simm.s32 $_size__tile_overlayer_lowered;
	s6 =	simm.s32 $_tile_overlayer_lowered  }
0x9b: {  	s22 =	simm.s32 $0x1BFF;
	s21 =	sshll.u32 s6, $0x1;
	s3 =	sadd.s32 s4, s19  }
0x9c: {  	s7 =	simm.s32 $0x0;
	s20 =	sshll.u32 s5, $0x1;
	s5 =	sadd.s32 s21, s3  }
0x9d: {  	[timem:s7], [sflag:s22] =	dma.local [hbm:s5], s20  }
0x9e: {  	_ =	swait.ge [sflag:s22], s20  }
0x9f: {  	s4 =	ssub.s32 $0x0, s20;
	[sflag:s22] =	ssyncset.done $0x0  }
0xa0: {  	[sflag:s22] =	ssyncadd.s32 s4;
	_ =	sdelay $0x1  }
0xa1: {  	s23 =	simm.s32 $0x1B8B  }
0xa2: {  	_ =	swait.ge [sflag:s23], $0x1  }
0xa3: {  	[sflag:s23] =	ssyncset.done $0x0  }
0xa4: {  	s25 =	simm.s32 $0x1B8E;
	s24 =	sld [smem:$0x3FFE];
	[sflag:s23] =	ssyncadd.s32 $0xFFFFFFFF  }
0xa5: {  	s26 =	simm.s32 $execute0_lowered;
	[smem:$0x3FD2] =	sst s25  }
0xa6: {  	s5 =	sshll.u32 s26, $0x1;
	_ =	strace $0x80000049;
	[dreg:$0x1] =	wrdreg $0xFFFFFFFF  }
0xa7: {  	s28 =	simm.s32 $_size_execute0_lowered;
	s3 =	sadd.s32 s3, s5;
	[dreg:$0x0] =	wrdreg $0x0  }
0xa8: {  	s5 =	sshll.u32 s28, $0x1;
	[dreg:$0x2] =	wrdreg s3  }
0xa9: {  	[dreg:$0x3] =	wrdreg s5  }
0xaa: {  	[dreg:$0x4] =	wrdreg $0xC0  }
0xab: {  	_ =	task [dreg:s7], $0x5FFFF  }
0xac: {  	[dreg:$0x1] =	wrdreg $0xFFFFFFFF  }
0xad: {  	[dreg:$0x0] =	wrdreg $0x60  }
0xae: {  	[dreg:$0x2] =	wrdreg s2  }
0xaf: {  	[dreg:$0x3] =	wrdreg s24  }
0xb0: {  	[dreg:$0x4] =	wrdreg $0x9  }
0xb1: {  	_ =	task.clear_ibuf [dreg:s7], $0x5FFFF;
	_ =	strace $0x90000049  }
0xb2: {  	s29 =	simm.s32 $0x9;
	_ =	strace $0x8000004B  }
0xb3: {  	_ =	swait.ge [sflag:s29], $0x1  }
0xb4: {  	[sflag:s29] =	ssyncadd.s32 $0xFFFFFFFF  }
0xb5: {  	_ =	strace $0x9000004B  }
0xb6: {  	_ =	sfence  }
0xb7: {  	s30 =	sld [smem:$0x0];
	_ =	sdelay $0x2  }
0xb8: {  	s31 =	sshll.u32 s1, $0xD;
	s1 =	sshrl.u32 s1, $0x2  }
0xb9: {  	s3 =	sand.u32 $0x4000, s31;
	s1 =	sadd.s32 s1, s30  }
0xba: {  	s0 =	sor.u32 s3, s0;
	s1 =	sshll.u32 s1, $0x11  }
0xbb: {  	s0 =	sor.u32 s1, s0  }
0xbc: {  	s0 =	sadd.s32 $0x8F2B, s0  }
0xbd: {  	[sflag:s0] =	ssyncadd.remote.s32 $0x1  }
0xbe: {  	_ =	sfence.sel $0xFFFF  }
0xbf: {  	[dreg:$0x0] =	wrdreg $0xFFFFFFFF;
	(pc) =	sbr.abs _section_cstart, $3  }
0xc0: {  	[dreg:$0x1] =	wrdreg $0xFFFFFFFF  }
0xc1: {  	_ =	task.clear_ibuf [dreg:s7], $0x2FFFF;
	_ =	strace $0x9FFFFFFF  }
0xc2: {  	(tm) =	ssettm $0x7FFFFFFF  }
0xc3: {  	_ =	shalt  }
tec
execute0_lowered:
.L_overlay_start_1:
0x0: {  	(tag) =	ssettag $0x1  }
0x1: {  	s0 =	srdreg.scid  }
0x2: {  	s5 =	rddreg [dreg:$0x0];
	s2 =	stileid.u32  }
0x3: {  	s3 =	rddreg [dreg:$0x1];
	s29 =	simm.s32 $0x8;
	s31 =	simm.s32 $0x640  }
0x4: {  	s14 =	simm.s32 $0x1;
	s30 =	simm.s32 $0x960;
	s12 =	simm.s32 $0x2  }
0x5: {  	s8 =	simm.s32 $0xFA00;
	s28 =	simm.s32 $0xC80;
	s11 =	simm.s32 $0x4  }
0x6: {  	s18 =	simm.s32 $0x3;
	s9 =	simm.s32 $0x6;
	s17 =	simm.s32 $0x28A0  }
0x7: {  	p0 =	por $0x0, $0x0;
	s13 =	simm.s32 $0x5;
	s0 =	sand.u32 $0x1, s0  }
0x8: {  	s10 =	simm.s32 $0x7;
	s16 =	simm.s32 $0x2BC0;
	s1 =	sshll.u32 s0, $0x4  }
0x9: {  	s15 =	simm.s32 $0x2EE0;
	s7 =	sadd.s32 $0xD0800, s3;
	s1 =	sor.u32 s2, s1  }
0xa: {  	s0 =	ssub.s32 $0x2, s0;
	s2 =	simm.s32 $0x0;
	s4 =	smul.u32 $0x320, s1  }
0xb: {  	s25 =	sshrl.u32 s0, $0x1;
	[smem:$0x7FF] =	sst s2;
	s6 =	smul.u32 $0x64000, s1  }
0xc: {  	s1 =	smul.u32 $0xC800, s1;
	s0 =	ssub.s32 s0, s25;
	s25 =	simm.s32 $0xFA0  }
0xd: {  	_ =	strace $0x8000004A;
	s0 =	smax.u32 s0, $0x1;
	s4 =	sadd.s32 s4, s3  }
0xe: {  	s6 =	sshrl.u32 s6, $0x3;
	s1 =	sadd.s32 s7, s1;
	s3 =	sadd.s32 $0xD200, s3  }
0xf: {  	s4 =	sadd.s32 $0xC00, s4;
	s19 =	sadd.s32 s7, s6;
	[dreg:$0x4] =	wrdreg s1  }
0x10: {  	p1 =	sne.s32 s0, $0x1;
	[dreg:$0x3] =	wrdreg s4;
	s20 =	sadd.s32 $0x1900, s19  }
0x11: {  	s6 =	simm.s32 $0x320;
	s21 =	sadd.s32 $0x3200, s19;
	[dreg:$0x5] =	wrdreg s20  }
0x12: {  	s7 =	simm.s32 $0x3200;
	s22 =	sadd.s32 $0x4B00, s19;
	[dreg:$0x6] =	wrdreg s21  }
0x13: {  	s1 =	sadd.s32 $0xFFFFFFFF, s0;
	s23 =	sadd.s32 $0x6400, s19;
	[dreg:$0x7] =	wrdreg s22  }
.Ltmp0:
0x14: {  	s24 =	sadd.s32 $0x7D00, s19;
	[dreg:$0x8] =	wrdreg s23;
	(pc) =	sbr.rel @!p1 .LBB2_3-.Ltmp0, $4  }
0x15: {  	s26 =	sadd.s32 $0x9600, s19;
	s4 =	sadd.s32 $0xAF00, s19;
	[dreg:$0x9] =	wrdreg s24  }
0x16: {  	s19 =	simm.s32 $0x2580;
	[dreg:$0xa] =	wrdreg s26;
	s26 =	simm.s32 $0x1900  }
0x17: {  	s24 =	simm.s32 $0x1C20;
	s22 =	simm.s32 $0x1F40;
	s20 =	simm.s32 $0x2260  }
0x18: {  	s23 =	simm.s32 $0x12C0;
	s21 =	simm.s32 $0x15E0;
	s0 =	rddreg [dreg:$0x3]  }
0x19: {  	[tilespmem:s2], [sflag:$0x8] =	stream.linear.gather [hbm4b:s0+s2], $0x1900, $0x38;
	[tilespmem:$0x1C200] =	vst v63  }
0x1a: {  	_ =	swait.ge [sflag:s29], $0x1900  }
0x1b: {  	[sflag:s29] =	ssyncset.done $0x0  }
0x1c: {  	[sflag:s29] =	ssyncadd.s32 $0xFFFFE700  }
0x1d: {  	[tilespmem:s26], [sflag:$0x1] =	stream.indirect.gather [hbm4b:s5+s6], $0x1, s2, s6, $0xb8;
	[tilespmem:$0x1C200] =	vst v63  }
0x1e: {  	_ = 	snop  }
0x1f: {  	[tilespmem:s24], [sflag:$0x2] =	stream.indirect.gather [hbm4b:s5+s6], $0x1, s6, s6, $0xb8;
	[tilespmem:$0x1C200] =	vst v63  }
0x20: {  	_ = 	snop  }
0x21: {  	[tilespmem:s22], [sflag:$0x3] =	stream.indirect.gather [hbm4b:s5+s6], $0x1, s31, s6, $0xb8;
	[tilespmem:$0x1C200] =	vst v63  }
0x22: {  	_ =	swait.ge [sflag:s14], $0x320  }
0x23: {  	[sflag:s14] =	ssyncset.done $0x0  }
0x24: {  	[sflag:s14] =	ssyncadd.s32 $0xFFFFFCE0  }
0x25: {  	[tilespmem:s7], [sflag:$0x4] =	stream.indirect.gather [hbm4b:s3+s6], $0x40, s26, s6, $0xb8;
	[tilespmem:$0x1C200] =	vst v63  }
0x26: {  	_ = 	snop  }
0x27: {  	[tilespmem:s20], [sflag:$0x1] =	stream.indirect.gather [hbm4b:s5+s6], $0x1, s30, s6, $0xb8;
	[tilespmem:$0x1C200] =	vst v63  }
0x28: {  	_ =	swait.ge [sflag:s12], $0x320  }
0x29: {  	[sflag:s12] =	ssyncset.done $0x0  }
0x2a: {  	[sflag:s12] =	ssyncadd.s32 $0xFFFFFCE0  }
0x2b: {  	[tilespmem:s8], [sflag:$0x5] =	stream.indirect.gather [hbm4b:s3+s6], $0x40, s24, s6, $0xb8;
	[tilespmem:$0x1C200] =	vst v63  }
0x2c: {  	_ = 	snop  }
0x2d: {  	[tilespmem:s19], [sflag:$0x2] =	stream.indirect.gather [hbm4b:s5+s6], $0x1, s28, s6, $0xb8;
	[tilespmem:$0x1C200] =	vst v63  }
0x2e: {  	_ =	swait.ge [sflag:s11], $0xC800  }
0x2f: {  	[sflag:s11] =	ssyncset.done $0x0  }
0x30: {  	s0 =	rddreg [dreg:$0x4];
	[sflag:s11] =	ssyncadd.s32 $0xFFFF3800  }
0x31: {  	[hbm4b:s0+s2] =	stream.linear.scatter [tilespmem:s7], [sflag:$0x6], $0xC800, $0x38;
	[tilespmem:$0x1C200] =	vst v63  }
0x32: {  	_ =	swait.ge [sflag:s18], $0x320  }
0x33: {  	[sflag:s18] =	ssyncset.done $0x0  }
0x34: {  	[sflag:s18] =	ssyncadd.s32 $0xFFFFFCE0  }
0x35: {  	_ =	swait.ge [sflag:s9], $0xC800  }
0x36: {  	[sflag:s9] =	ssyncset.done $0x0  }
0x37: {  	[sflag:s9] =	ssyncadd.s32 $0xFFFF3800  }
0x38: {  	[tilespmem:s7], [sflag:$0x4] =	stream.indirect.gather [hbm4b:s3+s6], $0x40, s22, s6, $0xb8;
	[tilespmem:$0x1C200] =	vst v63  }
0x39: {  	_ = 	snop  }
0x3a: {  	[tilespmem:s17], [sflag:$0x3] =	stream.indirect.gather [hbm4b:s5+s6], $0x1, s25, s6, $0xb8;
	[tilespmem:$0x1C200] =	vst v63  }
0x3b: {  	_ =	swait.ge [sflag:s13], $0xC800  }
0x3c: {  	[sflag:s13] =	ssyncset.done $0x0  }
0x3d: {  	s0 =	rddreg [dreg:$0x5];
	[sflag:s13] =	ssyncadd.s32 $0xFFFF3800  }
0x3e: {  	[hbm4b:s0+s2] =	stream.linear.scatter [tilespmem:s8], [sflag:$0x7], $0xC800, $0x38;
	[tilespmem:$0x1C200] =	vst v63  }
0x3f: {  	_ =	swait.ge [sflag:s14], $0x320  }
0x40: {  	[sflag:s14] =	ssyncset.done $0x0  }
0x41: {  	[sflag:s14] =	ssyncadd.s32 $0xFFFFFCE0  }
0x42: {  	_ =	swait.ge [sflag:s10], $0xC800  }
0x43: {  	[sflag:s10] =	ssyncset.done $0x0  }
0x44: {  	[sflag:s10] =	ssyncadd.s32 $0xFFFF3800  }
0x45: {  	[tilespmem:s8], [sflag:$0x5] =	stream.indirect.gather [hbm4b:s3+s6], $0x40, s20, s6, $0xb8;
	[tilespmem:$0x1C200] =	vst v63  }
0x46: {  	_ = 	snop  }
0x47: {  	[tilespmem:s16], [sflag:$0x1] =	stream.indirect.gather [hbm4b:s5+s6], $0x1, s23, s6, $0xb8;
	[tilespmem:$0x1C200] =	vst v63  }
0x48: {  	_ =	swait.ge [sflag:s11], $0xC800  }
0x49: {  	[sflag:s11] =	ssyncset.done $0x0  }
0x4a: {  	s0 =	rddreg [dreg:$0x6];
	[sflag:s11] =	ssyncadd.s32 $0xFFFF3800  }
0x4b: {  	[hbm4b:s0+s2] =	stream.linear.scatter [tilespmem:s7], [sflag:$0x6], $0xC800, $0x38;
	[tilespmem:$0x1C200] =	vst v63  }
0x4c: {  	_ =	swait.ge [sflag:s12], $0x320  }
0x4d: {  	[sflag:s12] =	ssyncset.done $0x0  }
0x4e: {  	[sflag:s12] =	ssyncadd.s32 $0xFFFFFCE0  }
0x4f: {  	_ =	swait.ge [sflag:s9], $0xC800  }
0x50: {  	[sflag:s9] =	ssyncset.done $0x0  }
0x51: {  	[sflag:s9] =	ssyncadd.s32 $0xFFFF3800  }
0x52: {  	[tilespmem:s7], [sflag:$0x4] =	stream.indirect.gather [hbm4b:s3+s6], $0x40, s19, s6, $0xb8;
	[tilespmem:$0x1C200] =	vst v63  }
0x53: {  	_ = 	snop  }
0x54: {  	[tilespmem:s15], [sflag:$0x2] =	stream.indirect.gather [hbm4b:s5+s6], $0x1, s21, s6, $0xb8;
	[tilespmem:$0x1C200] =	vst v63  }
0x55: {  	_ =	swait.ge [sflag:s13], $0xC800  }
0x56: {  	[sflag:s13] =	ssyncset.done $0x0  }
0x57: {  	s0 =	rddreg [dreg:$0x7];
	[sflag:s13] =	ssyncadd.s32 $0xFFFF3800  }
0x58: {  	[hbm4b:s0+s2] =	stream.linear.scatter [tilespmem:s8], [sflag:$0x7], $0xC800, $0x38;
	[tilespmem:$0x1C200] =	vst v63  }
0x59: {  	_ =	swait.ge [sflag:s18], $0x320  }
0x5a: {  	[sflag:s18] =	ssyncset.done $0x0  }
0x5b: {  	[sflag:s18] =	ssyncadd.s32 $0xFFFFFCE0  }
0x5c: {  	_ =	swait.ge [sflag:s10], $0xC800  }
0x5d: {  	[sflag:s10] =	ssyncset.done $0x0  }
0x5e: {  	[sflag:s10] =	ssyncadd.s32 $0xFFFF3800  }
0x5f: {  	[tilespmem:s8], [sflag:$0x5] =	stream.indirect.gather [hbm4b:s3+s6], $0x40, s17, s6, $0xb8;
	[tilespmem:$0x1C200] =	vst v63  }
0x60: {  	_ =	swait.ge [sflag:s11], $0xC800  }
0x61: {  	[sflag:s11] =	ssyncset.done $0x0  }
0x62: {  	s0 =	rddreg [dreg:$0x8];
	[sflag:s11] =	ssyncadd.s32 $0xFFFF3800  }
0x63: {  	[hbm4b:s0+s2] =	stream.linear.scatter [tilespmem:s7], [sflag:$0x6], $0xC800, $0x38;
	[tilespmem:$0x1C200] =	vst v63  }
0x64: {  	_ =	swait.ge [sflag:s14], $0x320  }
0x65: {  	[sflag:s14] =	ssyncset.done $0x0  }
0x66: {  	[sflag:s14] =	ssyncadd.s32 $0xFFFFFCE0  }
0x67: {  	_ =	swait.ge [sflag:s9], $0xC800  }
0x68: {  	[sflag:s9] =	ssyncset.done $0x0  }
0x69: {  	[sflag:s9] =	ssyncadd.s32 $0xFFFF3800  }
0x6a: {  	[tilespmem:s7], [sflag:$0x4] =	stream.indirect.gather [hbm4b:s3+s6], $0x40, s16, s6, $0xb8;
	[tilespmem:$0x1C200] =	vst v63  }
0x6b: {  	_ =	swait.ge [sflag:s13], $0xC800  }
0x6c: {  	[sflag:s13] =	ssyncset.done $0x0  }
0x6d: {  	s0 =	rddreg [dreg:$0x9];
	[sflag:s13] =	ssyncadd.s32 $0xFFFF3800  }
0x6e: {  	[hbm4b:s0+s2] =	stream.linear.scatter [tilespmem:s8], [sflag:$0x7], $0xC800, $0x38;
	[tilespmem:$0x1C200] =	vst v63  }
0x6f: {  	_ =	swait.ge [sflag:s12], $0x320  }
0x70: {  	[sflag:s12] =	ssyncset.done $0x0  }
0x71: {  	[sflag:s12] =	ssyncadd.s32 $0xFFFFFCE0  }
0x72: {  	_ =	swait.ge [sflag:s10], $0xC800  }
0x73: {  	[sflag:s10] =	ssyncset.done $0x0  }
0x74: {  	[sflag:s10] =	ssyncadd.s32 $0xFFFF3800  }
0x75: {  	[tilespmem:s8], [sflag:$0x5] =	stream.indirect.gather [hbm4b:s3+s6], $0x40, s15, s6, $0xb8;
	[tilespmem:$0x1C200] =	vst v63  }
0x76: {  	_ =	swait.ge [sflag:s11], $0xC800  }
0x77: {  	[sflag:s11] =	ssyncset.done $0x0  }
0x78: {  	s0 =	rddreg [dreg:$0xa];
	[sflag:s11] =	ssyncadd.s32 $0xFFFF3800  }
0x79: {  	[hbm4b:s0+s2] =	stream.linear.scatter [tilespmem:s7], [sflag:$0x6], $0xC800, $0x38;
	[tilespmem:$0x1C200] =	vst v63  }
0x7a: {  	_ =	swait.ge [sflag:s13], $0xC800  }
0x7b: {  	[sflag:s13] =	ssyncset.done $0x0  }
0x7c: {  	p1 =	sne.s32 s1, $0x1;
	[sflag:s13] =	ssyncadd.s32 $0xFFFF3800  }
0x7d: {  	[hbm4b:s4+s2] =	stream.linear.scatter [tilespmem:s8], [sflag:$0x7], $0xC800, $0x38;
	[tilespmem:$0x1C200] =	vst v63  }
.Ltmp1:
0x7e: {  	_ =	swait.ge [sflag:s9], $0xC800;
	(pc) =	sbr.rel @!p1 .LBB2_3-.Ltmp1, $4  }
0x7f: {  	[sflag:s9] =	ssyncset.done $0x0  }
0x80: {  	[sflag:s9] =	ssyncadd.s32 $0xFFFF3800  }
0x81: {  	s1 =	sadd.s32 $0xFFFFFFFF, s1;
	_ =	swait.ge [sflag:s10], $0xC800  }
0x82: {  	p0 =	por $0x1, $0x1;
	s0 =	rddreg [dreg:$0x3];
	[sflag:s10] =	ssyncset.done $0x0  }
.LBB2_2:
0x83: {  	[sflag:s10] =	ssyncadd.s32 $0xFFFF3800  }
0x84: {  	[tilespmem:s2], [sflag:$0x8] =	stream.linear.gather [hbm4b:s0+s2], $0x1900, $0x38;
	[tilespmem:$0x1C200] =	vst v63  }
0x85: {  	_ =	swait.ge [sflag:s29], $0x1900  }
0x86: {  	[sflag:s29] =	ssyncset.done $0x0  }
0x87: {  	[sflag:s29] =	ssyncadd.s32 $0xFFFFE700  }
0x88: {  	[tilespmem:s26], [sflag:$0x1] =	stream.indirect.gather [hbm4b:s5+s6], $0x1, s2, s6, $0xb8;
	[tilespmem:$0x1C200] =	vst v63  }
0x89: {  	_ = 	snop  }
0x8a: {  	[tilespmem:s24], [sflag:$0x2] =	stream.indirect.gather [hbm4b:s5+s6], $0x1, s6, s6, $0xb8;
	[tilespmem:$0x1C200] =	vst v63  }
0x8b: {  	_ = 	snop  }
0x8c: {  	[tilespmem:s22], [sflag:$0x3] =	stream.indirect.gather [hbm4b:s5+s6], $0x1, s31, s6, $0xb8;
	[tilespmem:$0x1C200] =	vst v63  }
0x8d: {  	_ =	swait.ge [sflag:s14], $0x320  }
0x8e: {  	[sflag:s14] =	ssyncset.done $0x0  }
0x8f: {  	[sflag:s14] =	ssyncadd.s32 $0xFFFFFCE0  }
0x90: {  	[tilespmem:s7], [sflag:$0x4] =	stream.indirect.gather [hbm4b:s3+s6], $0x40, s26, s6, $0xb8;
	[tilespmem:$0x1C200] =	vst v63  }
0x91: {  	_ = 	snop  }
0x92: {  	[tilespmem:s20], [sflag:$0x1] =	stream.indirect.gather [hbm4b:s5+s6], $0x1, s30, s6, $0xb8;
	[tilespmem:$0x1C200] =	vst v63  }
0x93: {  	_ =	swait.ge [sflag:s12], $0x320  }
0x94: {  	[sflag:s12] =	ssyncset.done $0x0  }
0x95: {  	[sflag:s12] =	ssyncadd.s32 $0xFFFFFCE0  }
0x96: {  	[tilespmem:s8], [sflag:$0x5] =	stream.indirect.gather [hbm4b:s3+s6], $0x40, s24, s6, $0xb8;
	[tilespmem:$0x1C200] =	vst v63  }
0x97: {  	_ = 	snop  }
0x98: {  	[tilespmem:s19], [sflag:$0x2] =	stream.indirect.gather [hbm4b:s5+s6], $0x1, s28, s6, $0xb8;
	[tilespmem:$0x1C200] =	vst v63  }
0x99: {  	_ =	swait.ge [sflag:s11], $0xC800  }
0x9a: {  	[sflag:s11] =	ssyncset.done $0x0  }
0x9b: {  	s0 =	rddreg [dreg:$0x4];
	[sflag:s11] =	ssyncadd.s32 $0xFFFF3800  }
0x9c: {  	[hbm4b:s0+s2] =	stream.linear.scatter [tilespmem:s7], [sflag:$0x6], $0xC800, $0x38;
	[tilespmem:$0x1C200] =	vst v63  }
0x9d: {  	_ =	swait.ge [sflag:s18], $0x320  }
0x9e: {  	[sflag:s18] =	ssyncset.done $0x0  }
0x9f: {  	[sflag:s18] =	ssyncadd.s32 $0xFFFFFCE0  }
0xa0: {  	_ =	swait.ge [sflag:s9], $0xC800  }
0xa1: {  	[sflag:s9] =	ssyncset.done $0x0  }
0xa2: {  	[sflag:s9] =	ssyncadd.s32 $0xFFFF3800  }
0xa3: {  	[tilespmem:s7], [sflag:$0x4] =	stream.indirect.gather [hbm4b:s3+s6], $0x40, s22, s6, $0xb8;
	[tilespmem:$0x1C200] =	vst v63  }
0xa4: {  	_ = 	snop  }
0xa5: {  	[tilespmem:s17], [sflag:$0x3] =	stream.indirect.gather [hbm4b:s5+s6], $0x1, s25, s6, $0xb8;
	[tilespmem:$0x1C200] =	vst v63  }
0xa6: {  	_ =	swait.ge [sflag:s13], $0xC800  }
0xa7: {  	[sflag:s13] =	ssyncset.done $0x0  }
0xa8: {  	s0 =	rddreg [dreg:$0x5];
	[sflag:s13] =	ssyncadd.s32 $0xFFFF3800  }
0xa9: {  	[hbm4b:s0+s2] =	stream.linear.scatter [tilespmem:s8], [sflag:$0x7], $0xC800, $0x38;
	[tilespmem:$0x1C200] =	vst v63  }
0xaa: {  	_ =	swait.ge [sflag:s14], $0x320  }
0xab: {  	[sflag:s14] =	ssyncset.done $0x0  }
0xac: {  	[sflag:s14] =	ssyncadd.s32 $0xFFFFFCE0  }
0xad: {  	_ =	swait.ge [sflag:s10], $0xC800  }
0xae: {  	[sflag:s10] =	ssyncset.done $0x0  }
0xaf: {  	[sflag:s10] =	ssyncadd.s32 $0xFFFF3800  }
0xb0: {  	[tilespmem:s8], [sflag:$0x5] =	stream.indirect.gather [hbm4b:s3+s6], $0x40, s20, s6, $0xb8;
	[tilespmem:$0x1C200] =	vst v63  }
0xb1: {  	_ = 	snop  }
0xb2: {  	[tilespmem:s16], [sflag:$0x1] =	stream.indirect.gather [hbm4b:s5+s6], $0x1, s23, s6, $0xb8;
	[tilespmem:$0x1C200] =	vst v63  }
0xb3: {  	_ =	swait.ge [sflag:s11], $0xC800  }
0xb4: {  	[sflag:s11] =	ssyncset.done $0x0  }
0xb5: {  	s0 =	rddreg [dreg:$0x6];
	[sflag:s11] =	ssyncadd.s32 $0xFFFF3800  }
0xb6: {  	[hbm4b:s0+s2] =	stream.linear.scatter [tilespmem:s7], [sflag:$0x6], $0xC800, $0x38;
	[tilespmem:$0x1C200] =	vst v63  }
0xb7: {  	_ =	swait.ge [sflag:s12], $0x320  }
0xb8: {  	[sflag:s12] =	ssyncset.done $0x0  }
0xb9: {  	[sflag:s12] =	ssyncadd.s32 $0xFFFFFCE0  }
0xba: {  	_ =	swait.ge [sflag:s9], $0xC800  }
0xbb: {  	[sflag:s9] =	ssyncset.done $0x0  }
0xbc: {  	[sflag:s9] =	ssyncadd.s32 $0xFFFF3800  }
0xbd: {  	[tilespmem:s7], [sflag:$0x4] =	stream.indirect.gather [hbm4b:s3+s6], $0x40, s19, s6, $0xb8;
	[tilespmem:$0x1C200] =	vst v63  }
0xbe: {  	_ = 	snop  }
0xbf: {  	[tilespmem:s15], [sflag:$0x2] =	stream.indirect.gather [hbm4b:s5+s6], $0x1, s21, s6, $0xb8;
	[tilespmem:$0x1C200] =	vst v63  }
0xc0: {  	_ =	swait.ge [sflag:s13], $0xC800  }
0xc1: {  	[sflag:s13] =	ssyncset.done $0x0  }
0xc2: {  	s0 =	rddreg [dreg:$0x7];
	[sflag:s13] =	ssyncadd.s32 $0xFFFF3800  }
0xc3: {  	[hbm4b:s0+s2] =	stream.linear.scatter [tilespmem:s8], [sflag:$0x7], $0xC800, $0x38;
	[tilespmem:$0x1C200] =	vst v63  }
0xc4: {  	_ =	swait.ge [sflag:s18], $0x320  }
0xc5: {  	[sflag:s18] =	ssyncset.done $0x0  }
0xc6: {  	[sflag:s18] =	ssyncadd.s32 $0xFFFFFCE0  }
0xc7: {  	_ =	swait.ge [sflag:s10], $0xC800  }
0xc8: {  	[sflag:s10] =	ssyncset.done $0x0  }
0xc9: {  	[sflag:s10] =	ssyncadd.s32 $0xFFFF3800  }
0xca: {  	[tilespmem:s8], [sflag:$0x5] =	stream.indirect.gather [hbm4b:s3+s6], $0x40, s17, s6, $0xb8;
	[tilespmem:$0x1C200] =	vst v63  }
0xcb: {  	_ =	swait.ge [sflag:s11], $0xC800  }
0xcc: {  	[sflag:s11] =	ssyncset.done $0x0  }
0xcd: {  	s0 =	rddreg [dreg:$0x8];
	[sflag:s11] =	ssyncadd.s32 $0xFFFF3800  }
0xce: {  	[hbm4b:s0+s2] =	stream.linear.scatter [tilespmem:s7], [sflag:$0x6], $0xC800, $0x38;
	[tilespmem:$0x1C200] =	vst v63  }
0xcf: {  	_ =	swait.ge [sflag:s14], $0x320  }
0xd0: {  	[sflag:s14] =	ssyncset.done $0x0  }
0xd1: {  	[sflag:s14] =	ssyncadd.s32 $0xFFFFFCE0  }
0xd2: {  	_ =	swait.ge [sflag:s9], $0xC800  }
0xd3: {  	[sflag:s9] =	ssyncset.done $0x0  }
0xd4: {  	[sflag:s9] =	ssyncadd.s32 $0xFFFF3800  }
0xd5: {  	[tilespmem:s7], [sflag:$0x4] =	stream.indirect.gather [hbm4b:s3+s6], $0x40, s16, s6, $0xb8;
	[tilespmem:$0x1C200] =	vst v63  }
0xd6: {  	_ =	swait.ge [sflag:s13], $0xC800  }
0xd7: {  	[sflag:s13] =	ssyncset.done $0x0  }
0xd8: {  	s0 =	rddreg [dreg:$0x9];
	[sflag:s13] =	ssyncadd.s32 $0xFFFF3800  }
0xd9: {  	[hbm4b:s0+s2] =	stream.linear.scatter [tilespmem:s8], [sflag:$0x7], $0xC800, $0x38;
	[tilespmem:$0x1C200] =	vst v63  }
0xda: {  	_ =	swait.ge [sflag:s12], $0x320  }
0xdb: {  	[sflag:s12] =	ssyncset.done $0x0  }
0xdc: {  	[sflag:s12] =	ssyncadd.s32 $0xFFFFFCE0  }
0xdd: {  	_ =	swait.ge [sflag:s10], $0xC800  }
0xde: {  	[sflag:s10] =	ssyncset.done $0x0  }
0xdf: {  	[sflag:s10] =	ssyncadd.s32 $0xFFFF3800  }
0xe0: {  	[tilespmem:s8], [sflag:$0x5] =	stream.indirect.gather [hbm4b:s3+s6], $0x40, s15, s6, $0xb8;
	[tilespmem:$0x1C200] =	vst v63  }
0xe1: {  	_ =	swait.ge [sflag:s11], $0xC800  }
0xe2: {  	[sflag:s11] =	ssyncset.done $0x0  }
0xe3: {  	s0 =	rddreg [dreg:$0xa];
	[sflag:s11] =	ssyncadd.s32 $0xFFFF3800  }
0xe4: {  	[hbm4b:s0+s2] =	stream.linear.scatter [tilespmem:s7], [sflag:$0x6], $0xC800, $0x38;
	[tilespmem:$0x1C200] =	vst v63  }
0xe5: {  	_ =	swait.ge [sflag:s13], $0xC800  }
0xe6: {  	[sflag:s13] =	ssyncset.done $0x0  }
0xe7: {  	p1 =	sne.s32 s1, $0x1;
	[sflag:s13] =	ssyncadd.s32 $0xFFFF3800  }
0xe8: {  	[hbm4b:s4+s2] =	stream.linear.scatter [tilespmem:s8], [sflag:$0x7], $0xC800, $0x38;
	[tilespmem:$0x1C200] =	vst v63  }
.Ltmp2:
0xe9: {  	_ =	swait.ge [sflag:s9], $0xC800;
	(pc) =	sbr.rel @p1 .LBB2_2-.Ltmp2, $4  }
0xea: {  	[sflag:s9] =	ssyncset.done $0x0  }
0xeb: {  	[sflag:s9] =	ssyncadd.s32 $0xFFFF3800  }
0xec: {  	_ =	swait.ge [sflag:s10], $0xC800  }
0xed: {  	s1 =	sadd.s32 $0xFFFFFFFF, s1;
	s0 =	rddreg [dreg:$0x3];
	[sflag:s10] =	ssyncset.done $0x0  }
.LBB2_3:
0xee: {  	[sflag:s10] =	ssyncadd.s32 @p0 $0xFFFF3800  }
0xef: {  	[tilespmem:s2], [sflag:$0x8] =	stream.linear.gather [hbm4b:s0+s2], $0x1900, $0x38;
	[tilespmem:$0x1C200] =	vst v63  }
0xf0: {  	_ =	swait.ge [sflag:s29], $0x1900  }
0xf1: {  	[sflag:s29] =	ssyncset.done $0x0  }
0xf2: {  	[sflag:s29] =	ssyncadd.s32 $0xFFFFE700  }
0xf3: {  	[tilespmem:s26], [sflag:$0x1] =	stream.indirect.gather [hbm4b:s5+s6], $0x1, s2, s6, $0xb8;
	[tilespmem:$0x1C200] =	vst v63  }
0xf4: {  	_ = 	snop  }
0xf5: {  	[tilespmem:s24], [sflag:$0x2] =	stream.indirect.gather [hbm4b:s5+s6], $0x1, s6, s6, $0xb8;
	[tilespmem:$0x1C200] =	vst v63  }
0xf6: {  	_ = 	snop  }
0xf7: {  	[tilespmem:s22], [sflag:$0x3] =	stream.indirect.gather [hbm4b:s5+s6], $0x1, s31, s6, $0xb8;
	[tilespmem:$0x1C200] =	vst v63  }
0xf8: {  	_ =	swait.ge [sflag:s14], $0x320  }
0xf9: {  	[sflag:s14] =	ssyncset.done $0x0  }
0xfa: {  	[sflag:s14] =	ssyncadd.s32 $0xFFFFFCE0  }
0xfb: {  	[tilespmem:s7], [sflag:$0x4] =	stream.indirect.gather [hbm4b:s3+s6], $0x40, s26, s6, $0xb8;
	[tilespmem:$0x1C200] =	vst v63  }
0xfc: {  	_ = 	snop  }
0xfd: {  	[tilespmem:s20], [sflag:$0x1] =	stream.indirect.gather [hbm4b:s5+s6], $0x1, s30, s6, $0xb8;
	[tilespmem:$0x1C200] =	vst v63  }
0xfe: {  	_ =	swait.ge [sflag:s12], $0x320  }
0xff: {  	[sflag:s12] =	ssyncset.done $0x0  }
0x100: {  	[sflag:s12] =	ssyncadd.s32 $0xFFFFFCE0  }
0x101: {  	[tilespmem:s8], [sflag:$0x5] =	stream.indirect.gather [hbm4b:s3+s6], $0x40, s24, s6, $0xb8;
	[tilespmem:$0x1C200] =	vst v63  }
0x102: {  	_ = 	snop  }
0x103: {  	[tilespmem:s19], [sflag:$0x2] =	stream.indirect.gather [hbm4b:s5+s6], $0x1, s28, s6, $0xb8;
	[tilespmem:$0x1C200] =	vst v63  }
0x104: {  	_ =	swait.ge [sflag:s11], $0xC800  }
0x105: {  	[sflag:s11] =	ssyncset.done $0x0  }
0x106: {  	s1 =	rddreg [dreg:$0x4];
	[sflag:s11] =	ssyncadd.s32 $0xFFFF3800  }
0x107: {  	[hbm4b:s1+s2] =	stream.linear.scatter [tilespmem:s7], [sflag:$0x6], $0xC800, $0x38;
	[tilespmem:$0x1C200] =	vst v63  }
0x108: {  	_ =	swait.ge [sflag:s18], $0x320  }
0x109: {  	[sflag:s18] =	ssyncset.done $0x0  }
0x10a: {  	[sflag:s18] =	ssyncadd.s32 $0xFFFFFCE0  }
0x10b: {  	_ =	swait.ge [sflag:s9], $0xC800  }
0x10c: {  	[sflag:s9] =	ssyncset.done $0x0  }
0x10d: {  	[sflag:s9] =	ssyncadd.s32 $0xFFFF3800  }
0x10e: {  	[tilespmem:s7], [sflag:$0x4] =	stream.indirect.gather [hbm4b:s3+s6], $0x40, s22, s6, $0xb8;
	[tilespmem:$0x1C200] =	vst v63  }
0x10f: {  	_ = 	snop  }
0x110: {  	[tilespmem:s17], [sflag:$0x3] =	stream.indirect.gather [hbm4b:s5+s6], $0x1, s25, s6, $0xb8;
	[tilespmem:$0x1C200] =	vst v63  }
0x111: {  	_ =	swait.ge [sflag:s13], $0xC800  }
0x112: {  	[sflag:s13] =	ssyncset.done $0x0  }
0x113: {  	s24 =	rddreg [dreg:$0x5];
	[sflag:s13] =	ssyncadd.s32 $0xFFFF3800  }
0x114: {  	[hbm4b:s24+s2] =	stream.linear.scatter [tilespmem:s8], [sflag:$0x7], $0xC800, $0x38;
	[tilespmem:$0x1C200] =	vst v63  }
0x115: {  	_ =	swait.ge [sflag:s14], $0x320  }
0x116: {  	[sflag:s14] =	ssyncset.done $0x0  }
0x117: {  	[sflag:s14] =	ssyncadd.s32 $0xFFFFFCE0  }
0x118: {  	_ =	swait.ge [sflag:s10], $0xC800  }
0x119: {  	[sflag:s10] =	ssyncset.done $0x0  }
0x11a: {  	[sflag:s10] =	ssyncadd.s32 $0xFFFF3800  }
0x11b: {  	[tilespmem:s8], [sflag:$0x5] =	stream.indirect.gather [hbm4b:s3+s6], $0x40, s20, s6, $0xb8;
	[tilespmem:$0x1C200] =	vst v63  }
0x11c: {  	_ = 	snop  }
0x11d: {  	[tilespmem:s16], [sflag:$0x1] =	stream.indirect.gather [hbm4b:s5+s6], $0x1, s23, s6, $0xb8;
	[tilespmem:$0x1C200] =	vst v63  }
0x11e: {  	_ =	swait.ge [sflag:s11], $0xC800  }
0x11f: {  	[sflag:s11] =	ssyncset.done $0x0  }
0x120: {  	s25 =	rddreg [dreg:$0x6];
	[sflag:s11] =	ssyncadd.s32 $0xFFFF3800  }
0x121: {  	[hbm4b:s25+s2] =	stream.linear.scatter [tilespmem:s7], [sflag:$0x6], $0xC800, $0x38;
	[tilespmem:$0x1C200] =	vst v63  }
0x122: {  	_ =	swait.ge [sflag:s12], $0x320  }
0x123: {  	[sflag:s12] =	ssyncset.done $0x0  }
0x124: {  	[sflag:s12] =	ssyncadd.s32 $0xFFFFFCE0  }
0x125: {  	_ =	swait.ge [sflag:s9], $0xC800  }
0x126: {  	[sflag:s9] =	ssyncset.done $0x0  }
0x127: {  	[sflag:s9] =	ssyncadd.s32 $0xFFFF3800  }
0x128: {  	[tilespmem:s7], [sflag:$0x4] =	stream.indirect.gather [hbm4b:s3+s6], $0x40, s19, s6, $0xb8;
	[tilespmem:$0x1C200] =	vst v63  }
0x129: {  	_ = 	snop  }
0x12a: {  	[tilespmem:s15], [sflag:$0x2] =	stream.indirect.gather [hbm4b:s5+s6], $0x1, s21, s6, $0xb8;
	[tilespmem:$0x1C200] =	vst v63  }
0x12b: {  	_ =	swait.ge [sflag:s13], $0xC800  }
0x12c: {  	[sflag:s13] =	ssyncset.done $0x0  }
0x12d: {  	s26 =	rddreg [dreg:$0x7];
	[sflag:s13] =	ssyncadd.s32 $0xFFFF3800  }
0x12e: {  	[hbm4b:s26+s2] =	stream.linear.scatter [tilespmem:s8], [sflag:$0x7], $0xC800, $0x38;
	[tilespmem:$0x1C200] =	vst v63  }
0x12f: {  	_ =	swait.ge [sflag:s18], $0x320  }
0x130: {  	[sflag:s18] =	ssyncset.done $0x0  }
0x131: {  	[sflag:s18] =	ssyncadd.s32 $0xFFFFFCE0  }
0x132: {  	_ =	swait.ge [sflag:s10], $0xC800  }
0x133: {  	[sflag:s10] =	ssyncset.done $0x0  }
0x134: {  	[sflag:s10] =	ssyncadd.s32 $0xFFFF3800  }
0x135: {  	[tilespmem:s8], [sflag:$0x5] =	stream.indirect.gather [hbm4b:s3+s6], $0x40, s17, s6, $0xb8;
	[tilespmem:$0x1C200] =	vst v63  }
0x136: {  	_ =	swait.ge [sflag:s11], $0xC800  }
0x137: {  	[sflag:s11] =	ssyncset.done $0x0  }
0x138: {  	s28 =	rddreg [dreg:$0x8];
	[sflag:s11] =	ssyncadd.s32 $0xFFFF3800  }
0x139: {  	[hbm4b:s28+s2] =	stream.linear.scatter [tilespmem:s7], [sflag:$0x6], $0xC800, $0x38;
	[tilespmem:$0x1C200] =	vst v63  }
0x13a: {  	_ =	swait.ge [sflag:s14], $0x320  }
0x13b: {  	[sflag:s14] =	ssyncset.done $0x0  }
0x13c: {  	[sflag:s14] =	ssyncadd.s32 $0xFFFFFCE0  }
0x13d: {  	_ =	swait.ge [sflag:s9], $0xC800  }
0x13e: {  	[sflag:s9] =	ssyncset.done $0x0  }
0x13f: {  	[sflag:s9] =	ssyncadd.s32 $0xFFFF3800  }
0x140: {  	[tilespmem:s7], [sflag:$0x4] =	stream.indirect.gather [hbm4b:s3+s6], $0x40, s16, s6, $0xb8;
	[tilespmem:$0x1C200] =	vst v63  }
0x141: {  	_ =	swait.ge [sflag:s13], $0xC800  }
0x142: {  	[sflag:s13] =	ssyncset.done $0x0  }
0x143: {  	s29 =	rddreg [dreg:$0x9];
	[sflag:s13] =	ssyncadd.s32 $0xFFFF3800  }
0x144: {  	[hbm4b:s29+s2] =	stream.linear.scatter [tilespmem:s8], [sflag:$0x7], $0xC800, $0x38;
	[tilespmem:$0x1C200] =	vst v63  }
0x145: {  	_ =	swait.ge [sflag:s12], $0x320  }
0x146: {  	[sflag:s12] =	ssyncset.done $0x0  }
0x147: {  	[sflag:s12] =	ssyncadd.s32 $0xFFFFFCE0  }
0x148: {  	_ =	swait.ge [sflag:s10], $0xC800  }
0x149: {  	[sflag:s10] =	ssyncset.done $0x0  }
0x14a: {  	[sflag:s10] =	ssyncadd.s32 $0xFFFF3800  }
0x14b: {  	[tilespmem:s8], [sflag:$0x5] =	stream.indirect.gather [hbm4b:s3+s6], $0x40, s15, s6, $0xb8;
	[tilespmem:$0x1C200] =	vst v63  }
0x14c: {  	_ =	swait.ge [sflag:s11], $0xC800  }
0x14d: {  	[sflag:s11] =	ssyncset.done $0x0  }
0x14e: {  	s30 =	rddreg [dreg:$0xa];
	[sflag:s11] =	ssyncadd.s32 $0xFFFF3800  }
0x14f: {  	[hbm4b:s30+s2] =	stream.linear.scatter [tilespmem:s7], [sflag:$0x6], $0xC800, $0x38;
	[tilespmem:$0x1C200] =	vst v63  }
0x150: {  	_ =	swait.ge [sflag:s13], $0xC800  }
0x151: {  	[sflag:s13] =	ssyncset.done $0x0  }
0x152: {  	[sflag:s13] =	ssyncadd.s32 $0xFFFF3800  }
0x153: {  	[hbm4b:s4+s2] =	stream.linear.scatter [tilespmem:s8], [sflag:$0x7], $0xC800, $0x38;
	[tilespmem:$0x1C200] =	vst v63  }
0x154: {  	_ =	swait.ge [sflag:s9], $0xC800  }
0x155: {  	[sflag:s9] =	ssyncset.done $0x0  }
0x156: {  	[sflag:s9] =	ssyncadd.s32 $0xFFFF3800  }
0x157: {  	_ =	swait.ge [sflag:s10], $0xC800  }
0x158: {  	[sflag:s10] =	ssyncset.done $0x0  }
0x159: {  	[sflag:s10] =	ssyncadd.s32 $0xFFFF3800  }
0x15a: {  	_ =	sfence.sel $0x180000  }
0x15b: {  	[bflag:$0x0] =	sbarrier.arrive $0xFFFF  }
0x15c: {  	_ =	strace $0x9000004A  }
0x15d: {  	s31 =	stileid.u32;
	[bflag:$0x2] =	sbarrier.arrive $0xFFFF  }
0x15e: {  	p0 =	sne.s32 s31, $0x0;
	s0 =	rddreg [dreg:$0x2]  }
0x15f: {  	s0 =	sadd.s32 @!p0 $0x100000, s0  }
0x160: {  	[sflag:s0] =	ssyncadd.tile.s32 @!p0 $0x1;
	_ =	shalt  }
.Lfunc_end2:
_tile_overlayer_lowered:
.L_overlay_start_2:
0x161: {  	(tag) =	ssettag $0x2  }
0x162: {  	s0 =	rddreg [dreg:$0x0];
	s2 =	stileid.u32  }
0x163: {  	s1 =	rddreg [dreg:$0x1];
	p0 =	sne.s32 s2, $0x0  }
0x164: {  	s3 =	rddreg [dreg:$0x2];
	[bflag:$0x3] =	sbarrier.arrive $0xFFFF;
	s2 =	simm.s32 @!p0 $0x1C08  }
0x165: {  	[timem:s3], [sflag:s2] =	dma.local @!p0 [hbm:s0], s1  }
0x166: {  	s0 =	simm.s32 @!p0 $0x8  }
0x167: {  	_ =	swait.ge @!p0 [sflag:s0], s1  }
0x168: {  	s1 =	ssub.s32 @!p0 $0x0, s1;
	[sflag:s0] =	ssyncset.done @!p0 $0x0  }
0x169: {  	[sflag:s0] =	ssyncadd.s32 @!p0 s1  }
0x16a: {  	[bflag:$0x3] =	sbarrier.arrive $0xFFFF  }
0x16b: {  	_ =	shalt  }

</sc_bundles>
